<compile_context>
chip_gen: v7x
topology: tpu7x:2x2x1
jax: 0.10.2.dev20260603
libtpu: 0.0.44.dev20260713+nightly
codegen_flags: <defaults>
</compile_context>

<pallas_src>
import jax
import jax.numpy as jnp
from jax import lax
from jax.experimental import pallas as pl
from jax.experimental.pallas import tpu as pltpu
from jax.experimental.pallas import tpu_sc as plsc

_B, _T, _D = 4, 8192, 768
_NC = 1000
_N = 4
_K = 16
_TBLK = 512
_NCHUNK = 8
_NEG = -3.0e38


_NBLK = _T // _TBLK
_NCACHE = 8


def _stats_body(e_ref, mu_ref, dev_ref, cache_ref):
    p = pl.program_id(0)
    i = pl.program_id(1)

    @pl.when(p == 0)
    def _():
        s = jnp.sum(e_ref[...], axis=1)

        @pl.when(i == 0)
        def _():
            mu_ref[...] = jnp.zeros_like(mu_ref)

        mu_ref[...] += s

        @pl.when(i < _NCACHE)
        def _():
            cache_ref[:, pl.ds(i * _TBLK, _TBLK), :] = e_ref[...]

        @pl.when(i == pl.num_programs(1) - 1)
        def _():
            mu_ref[...] *= jnp.float32(1.0 / _T)

    @pl.when(p == 1)
    def _():
        mu = mu_ref[...][:, None, :]

        @pl.when(i < _NBLK - _NCACHE)
        def _():
            d = e_ref[...] - mu
            dev_ref[...] = jnp.sum(d * d, axis=-1)

        @pl.when(i >= _NBLK - _NCACHE)
        def _():
            j = i - (_NBLK - _NCACHE)
            d = cache_ref[:, pl.ds(j * _TBLK, _TBLK), :] - mu
            dev_ref[...] = jnp.sum(d * d, axis=-1)


def _stats(E):
    def e_map(p, i):
        late = jnp.where(i < _NBLK - _NCACHE, i + _NCACHE, _NBLK - 1)
        return (0, jnp.where(p == 0, i, late), 0)

    def dev_map(p, i):
        ph1 = jnp.where(i < _NBLK - _NCACHE, i + _NCACHE, i - (_NBLK - _NCACHE))
        return (0, jnp.where(p == 0, 0, ph1))

    return pl.pallas_call(
        _stats_body,
        grid=(2, _NBLK),
        in_specs=[pl.BlockSpec((_B, _TBLK, _D), e_map)],
        out_specs=[
            pl.BlockSpec((_B, _D), lambda p, i: (0, 0)),
            pl.BlockSpec((_B, _TBLK), dev_map),
        ],
        out_shape=[
            jax.ShapeDtypeStruct((_B, _D), jnp.float32),
            jax.ShapeDtypeStruct((_B, _T), jnp.float32),
        ],
        scratch_shapes=[pltpu.VMEM((_B, _NCACHE * _TBLK, _D), jnp.float32)],
        compiler_params=pltpu.CompilerParams(
            vmem_limit_bytes=112 * 1024 * 1024),
    )(E)


def _merge16(ck, ci, nk, ni):
    kd, idd = plsc.sort_key_val(nk, ni, descending=True)
    ge = ck >= kd
    mk = jnp.where(ge, ck, kd)
    mi = jnp.where(ge, ci, idd)
    return tuple(plsc.sort_key_val(mk, mi))


def _sc_topk_body(dev_hbm, e_hbm, out_hbm, devv, rows, ssum, sem):
    c = lax.axis_index("c")
    s = lax.axis_index("s")
    sample = 2 * c + s // _NCHUNK

    @pl.when((s == 0) | (s == _NCHUNK))
    def _():
        pltpu.sync_copy(dev_hbm.at[pl.ds(sample * _T, _T)], devv)
        iota = lax.broadcasted_iota(jnp.int32, (16,), 0)

        def body(j, carry):
            out = []
            for q in range(8):
                ck, ci = carry[2 * q], carry[2 * q + 1]
                v = devv[pl.ds(j * 128 + q * 16, 16)]
                nk, ni = _merge16(ck, ci, v, iota + (j * 128 + q * 16))
                out += [nk, ni]
            return tuple(out)

        init = (jnp.full((16,), _NEG, jnp.float32),
                jnp.zeros((16,), jnp.int32)) * 8
        r = lax.fori_loop(0, _T // 128, body, init)
        m = [_merge16(r[4 * q], r[4 * q + 1], r[4 * q + 2], r[4 * q + 3])
             for q in range(4)]
        ka, ia = _merge16(m[0][0], m[0][1], m[1][0], m[1][1])
        kb, ib = _merge16(m[2][0], m[2][1], m[3][0], m[3][1])
        _, fi = _merge16(ka, ia, kb, ib)

        pltpu.sync_copy(e_hbm.at[fi + sample * _T], rows)

        def dsum(dj, _):
            def inner(r, acc):
                return acc + rows[r, pl.ds(dj * 16, 16)]

            ssum[pl.ds(dj * 16, 16)] = lax.fori_loop(
                0, _K, inner, jnp.zeros((16,), jnp.float32))
            return 0

        lax.fori_loop(0, _D // 16, dsum, 0)
        pltpu.sync_copy(ssum, out_hbm.at[sample])


def _sc_topk(dev2_flat, e_flat):
    kern = pl.kernel(
        _sc_topk_body,
        out_type=jax.ShapeDtypeStruct((_B, _D), jnp.float32),
        mesh=plsc.VectorSubcoreMesh(core_axis_name="c", subcore_axis_name="s"),
        compiler_params=pltpu.CompilerParams(needs_layout_passes=False),
        scratch_types=[
            pltpu.VMEM((_T,), jnp.float32),
            pltpu.VMEM((_K, _D), jnp.float32),
            pltpu.VMEM((_D,), jnp.float32),
            pltpu.SemaphoreType.DMA,
        ],
    )
    return kern(dev2_flat, e_flat)


def _head_body(mu_ref, s_ref, w1_ref, b1_ref, w2_ref, b2_ref, out_ref):
    mu = mu_ref[...]
    S = s_ref[...]
    corr = (S - jnp.float32(_K) * mu) * jnp.float32(1.0 / _T)
    mu_rep = jnp.broadcast_to(mu[:, None, :], (_B, _N, _D)).reshape(_B * _N, _D)
    co_rep = jnp.broadcast_to(corr[:, None, :], (_B, _N, _D)).reshape(_B * _N, _D)
    ii = lax.broadcasted_iota(jnp.int32, (_B * _N, 1), 0)
    alpha = (ii % _N).astype(jnp.float32) * jnp.float32(1.0 / (_N - 1))
    Z = mu_rep - alpha * co_rep
    h = lax.dot_general(Z, w1_ref[...], (((1,), (1,)), ((), ())),
                        preferred_element_type=jnp.float32) + b1_ref[...]
    h = 0.5 * h * (1.0 + lax.erf(h * jnp.float32(0.7071067811865476)))
    out_ref[...] = lax.dot_general(h, w2_ref[...], (((1,), (1,)), ((), ())),
                                   preferred_element_type=jnp.float32) + b2_ref[...]


def _head(mu, S, W1, b1, W2, b2):
    return pl.pallas_call(
        _head_body,
        out_shape=jax.ShapeDtypeStruct((_B * _N, _NC), jnp.float32),
    )(mu, S, W1, b1.reshape(1, -1), W2, b2.reshape(1, -1))


def kernel(E, W1, b1, W2, b2):
    mu, dev2 = _stats(E)
    S = _sc_topk(dev2.reshape(-1), E.reshape(_B * _T, _D))
    return _head(mu, S, W1, b1, W2, b2)

# --- scband reference (transcript-rebuilt; emitter-appended) ---
"""Pipeline reference for scband-outlier-impute-head-40441412059717 (READ-ONLY COPY).

The authoritative reference and input builder live on the scoring server;
editing this copy changes nothing except your own understanding.
"""

import jax, jax.numpy as jnp
import numpy as np

B, T, D = 4, 8192, 768
NC = 1000
N = 4
TOPK = 16

def setup_inputs(seed: int = 0) -> dict:
    key = jax.random.key(seed)
    k1, k2, k3 = jax.random.split(key, 3)
    E = jax.random.normal(k1, (B, T, D), dtype=jnp.float32)
    W1 = jax.random.normal(k2, (D // 2, D), dtype=jnp.float32) * 0.02
    b1 = jnp.zeros((D // 2,), dtype=jnp.float32)
    W2 = jax.random.normal(k3, (NC, D // 2), dtype=jnp.float32) * 0.02
    b2 = jnp.zeros((NC,), dtype=jnp.float32)
    return {"E": E, "W1": W1, "b1": b1, "W2": W2, "b2": b2}

def reference(E, W1, b1, W2, b2):
    # Training path: duplicate-and-impute (module default self.training=True, training_only=True, n>1)
    Bv, Tv, Dv = E.shape
    mu = E.mean(axis=1, keepdims=True)  # (B,1,D)
    dev = jnp.sqrt(jnp.sum((E - mu) ** 2, axis=-1))  # (B,T)
    k = min(TOPK, Tv)
    _, idx = jax.lax.top_k(dev, k)  # (B,k)
    mask = jnp.zeros((Bv, Tv), dtype=bool).at[jnp.arange(Bv)[:, None], idx].set(True)
    maskf = jax.lax.stop_gradient(mask[..., None].astype(E.dtype))  # (B,T,1), computed under no_grad
    diff = E - mu
    alphas = jnp.linspace(0.0, 1.0, N, dtype=E.dtype)
    E_list = [E - maskf * diff * a for a in alphas]
    E_out = jnp.stack(E_list, axis=1).reshape(Bv * N, Tv, Dv)
    Z = E_out.mean(axis=1)  # (B*N, D)
    h = jax.nn.gelu(Z @ W1.T + b1, approximate=False)
    logits = h @ W2.T + b2
    return logits

if __name__ == "__main__":
    import jax
    _d = setup_inputs()
    print(jax.jit(kernel)(*tuple(_d.values())))

</pallas_src>

<mosaic_0001>
#map = affine_map<(d0, d1) -> (0)>
#map1 = affine_map<(d0, d1) -> (0, 0)>
module attributes {stable_mosaic.version = 14 : i64} {
  func.func @_sc_topk_body(%arg0: i32, %arg1: i32, %arg2: memref<32768xf32, #tpu.memory_space<hbm>>, %arg3: memref<32768x768xf32, #tpu.memory_space<hbm>>, %arg4: memref<4x768xf32, #tpu.memory_space<hbm>>, %arg5: memref<8192xf32, #tpu.memory_space<vmem>>, %arg6: memref<16x768xf32, #tpu.memory_space<vmem>>, %arg7: memref<768xf32, #tpu.memory_space<vmem>>, %arg8: memref<!tpu.dma_semaphore, #tpu.memory_space<semaphore_mem>>) attributes {dimension_semantics = [#tpu.dimension_semantics<core_parallel>, #tpu.dimension_semantics<subcore_parallel>], iteration_bounds = array<i64: 2, 16>, scalar_prefetch = 0 : i64, scratch_operands = 4 : i64, tpu.core_type = #tpu.core_type<sc_vector_subcore>, window_params = [{transform_indices = #map}, {transform_indices = #map1}, {transform_indices = #map1}]} {
    %mul3A = arith.constant 2 : i32
    %mul3A_0 = arith.muli %mul3A, %arg0 : i32
    %jit3A = arith.constant 8 : i32
    %div3A = arith.divsi %arg1, %jit3A : i32
    %sign3A = arith.constant 0 : i32
    %sign3A_1 = arith.cmpi sgt, %arg1, %sign3A : i32
    %sign3A_2 = arith.extui %sign3A_1 : i1 to i32
    %sign3A_3 = arith.constant 0 : i32
    %sign3A_4 = arith.cmpi slt, %arg1, %sign3A_3 : i32
    %sign3A_5 = arith.extui %sign3A_4 : i1 to i32
    %sign3A_6 = arith.subi %sign3A_2, %sign3A_5 : i32
    %sign3A_7 = arith.constant 0 : i32
    %sign3A_8 = arith.cmpi sgt, %jit3A, %sign3A_7 : i32
    %sign3A_9 = arith.extui %sign3A_8 : i1 to i32
    %sign3A_10 = arith.constant 0 : i32
    %sign3A_11 = arith.cmpi slt, %jit3A, %sign3A_10 : i32
    %sign3A_12 = arith.extui %sign3A_11 : i1 to i32
    %sign3A_13 = arith.subi %sign3A_9, %sign3A_12 : i32
    %ne3A = arith.cmpi ne, %sign3A_6, %sign3A_13 : i32
    %rem3A = arith.remsi %arg1, %jit3A : i32
    %ne3A_14 = arith.constant 0 : i32
    %ne3A_15 = arith.cmpi ne, %rem3A, %ne3A_14 : i32
    %and3A = arith.andi %ne3A, %ne3A_15 : i1
    %sub3A = arith.constant 1 : i32
    %sub3A_16 = arith.subi %div3A, %sub3A : i32
    %select_n3A = arith.select %and3A, %sub3A_16, %div3A : i32
    %add3A = arith.addi %mul3A_0, %select_n3A : i32
    %eq3A = arith.constant 0 : i32
    %eq3A_17 = arith.cmpi eq, %arg1, %eq3A : i32
    %eq3A_18 = arith.constant 8 : i32
    %eq3A_19 = arith.cmpi eq, %arg1, %eq3A_18 : i32
    %or3A = arith.ori %eq3A_17, %eq3A_19 : i1
    %convert_element_type3A = arith.extui %or3A : i1 to i32
    %cond3A = arith.constant 0 : i32
    %cond3A_20 = arith.cmpi ne, %convert_element_type3A, %cond3A : i32
    scf.if %cond3A_20 {
      %mul3A_21 = arith.constant 8192 : i32
      %mul3A_22 = arith.muli %add3A, %mul3A_21 : i32
      "tpu.region"() ({
        %run_scoped3A = tpu.sem_alloc : memref<!tpu.dma_semaphore, #tpu.memory_space<semaphore_mem>>
        %dma_start3A = tpu.memref_slice %arg2[%mul3A_22] : memref<32768xf32, #tpu.memory_space<hbm>> -> memref<8192xf32, #tpu.memory_space<hbm>>
        %dma_start3A_117 = tpu.memref_slice %arg2[%mul3A_22] : memref<32768xf32, #tpu.memory_space<hbm>> -> memref<8192xf32, #tpu.memory_space<hbm>>
        tpu.enqueue_dma source(%dma_start3A_117 : memref<8192xf32, #tpu.memory_space<hbm>>) target(%arg5 : memref<8192xf32, #tpu.memory_space<vmem>>) target_semaphore(%run_scoped3A : memref<!tpu.dma_semaphore, #tpu.memory_space<semaphore_mem>>)
        %dma_wait3A = tpu.memref_slice %arg2[%mul3A_22] : memref<32768xf32, #tpu.memory_space<hbm>> -> memref<8192xf32, #tpu.memory_space<hbm>>
        %dma_wait3A_118 = tpu.memref_slice %arg2[%mul3A_22] : memref<32768xf32, #tpu.memory_space<hbm>> -> memref<8192xf32, #tpu.memory_space<hbm>>
        tpu.wait_dma2 semaphore(%run_scoped3A : memref<!tpu.dma_semaphore, #tpu.memory_space<semaphore_mem>>) src(%dma_wait3A_118 : memref<8192xf32, #tpu.memory_space<hbm>>) dst(%arg5 : memref<8192xf32, #tpu.memory_space<vmem>>)
        tpu.yield
      }) : () -> ()
      %iota3A = tpu.iota {dimensions = array<i32: 0>} : vector<16xi32>
      %broadcast_in_dim3A = arith.constant -3.000000e+38 : f32
      %broadcast_in_dim3A_23 = vector.broadcast %broadcast_in_dim3A : f32 to vector<16xf32>
      %broadcast_in_dim3A_24 = arith.constant 0 : i32
      %broadcast_in_dim3A_25 = vector.broadcast %broadcast_in_dim3A_24 : i32 to vector<16xi32>
      %scan3A = arith.constant 0 : i32
      %scan3A_26 = arith.constant 64 : i32
      %scan3A_27 = arith.addi %scan3A, %scan3A_26 : i32
      %scan3A_28 = arith.constant 1 : i32
      %scan3A_29:16 = scf.for %scan3A_117 = %scan3A to %scan3A_27 step %scan3A_28 iter_args(%scan3A_118 = %broadcast_in_dim3A_23, %scan3A_119 = %broadcast_in_dim3A_25, %scan3A_120 = %broadcast_in_dim3A_23, %scan3A_121 = %broadcast_in_dim3A_25, %scan3A_122 = %broadcast_in_dim3A_23, %scan3A_123 = %broadcast_in_dim3A_25, %scan3A_124 = %broadcast_in_dim3A_23, %scan3A_125 = %broadcast_in_dim3A_25, %scan3A_126 = %broadcast_in_dim3A_23, %scan3A_127 = %broadcast_in_dim3A_25, %scan3A_128 = %broadcast_in_dim3A_23, %scan3A_129 = %broadcast_in_dim3A_25, %scan3A_130 = %broadcast_in_dim3A_23, %scan3A_131 = %broadcast_in_dim3A_25, %scan3A_132 = %broadcast_in_dim3A_23, %scan3A_133 = %broadcast_in_dim3A_25) -> (vector<16xf32>, vector<16xi32>, vector<16xf32>, vector<16xi32>, vector<16xf32>, vector<16xi32>, vector<16xf32>, vector<16xi32>, vector<16xf32>, vector<16xi32>, vector<16xf32>, vector<16xi32>, vector<16xf32>, vector<16xi32>, vector<16xf32>, vector<16xi32>)  : i32 {
        %mul3A_134 = arith.constant 128 : i32
        %mul3A_135 = arith.muli %scan3A_117, %mul3A_134 : i32
        %add3A_136 = arith.constant 0 : i32
        %add3A_137 = arith.addi %mul3A_135, %add3A_136 : i32
        %get3A = arith.index_cast %add3A_137 : i32 to index
        %get3A_138 = tpu.vector_load %arg5[%get3A] {strides = array<i32>} : memref<8192xf32, #tpu.memory_space<vmem>>, vector<16xf32>,
        %mul3A_139 = arith.constant 128 : i32
        %mul3A_140 = arith.muli %scan3A_117, %mul3A_139 : i32
        %add3A_141 = arith.constant 0 : i32
        %add3A_142 = arith.addi %mul3A_140, %add3A_141 : i32
        %add3A_143 = vector.broadcast %add3A_142 : i32 to vector<16xi32>
        %add3A_144 = arith.addi %iota3A, %add3A_143 : vector<16xi32>
        %masked_sort3A_145 = arith.constant dense<true> : vector<16xi1>
        %masked_sort3A_146, %masked_sort3A_147, %masked_sort3A_148 = tpu.sort %get3A_138, %add3A_144 masked %masked_sort3A_145 {descending = true} : (vector<16xf32>, vector<16xi32>, vector<16xi1>) -> (vector<16xi1>, vector<16xf32>, vector<16xi32>)
        %ge3A_149 = arith.cmpf oge, %scan3A_118, %masked_sort3A_147 : vector<16xf32>
        %select_n3A_150 = arith.select %ge3A_149, %scan3A_118, %masked_sort3A_147 : vector<16xi1>, vector<16xf32>
        %select_n3A_151 = arith.select %ge3A_149, %scan3A_119, %masked_sort3A_148 : vector<16xi1>, vector<16xi32>
        %masked_sort3A_152 = arith.constant dense<true> : vector<16xi1>
        %masked_sort3A_153, %masked_sort3A_154, %masked_sort3A_155 = tpu.sort %select_n3A_150, %select_n3A_151 masked %masked_sort3A_152 : (vector<16xf32>, vector<16xi32>, vector<16xi1>) -> (vector<16xi1>, vector<16xf32>, vector<16xi32>)
        %mul3A_156 = arith.constant 128 : i32
        %mul3A_157 = arith.muli %scan3A_117, %mul3A_156 : i32
        %add3A_158 = arith.constant 16 : i32
        %add3A_159 = arith.addi %mul3A_157, %add3A_158 : i32
        %get3A_160 = arith.index_cast %add3A_159 : i32 to index
        %get3A_161 = tpu.vector_load %arg5[%get3A_160] {strides = array<i32>} : memref<8192xf32, #tpu.memory_space<vmem>>, vector<16xf32>,
        %mul3A_162 = arith.constant 128 : i32
        %mul3A_163 = arith.muli %scan3A_117, %mul3A_162 : i32
        %add3A_164 = arith.constant 16 : i32
        %add3A_165 = arith.addi %mul3A_163, %add3A_164 : i32
        %add3A_166 = vector.broadcast %add3A_165 : i32 to vector<16xi32>
        %add3A_167 = arith.addi %iota3A, %add3A_166 : vector<16xi32>
        %masked_sort3A_168 = arith.constant dense<true> : vector<16xi1>
        %masked_sort3A_169, %masked_sort3A_170, %masked_sort3A_171 = tpu.sort %get3A_161, %add3A_167 masked %masked_sort3A_168 {descending = true} : (vector<16xf32>, vector<16xi32>, vector<16xi1>) -> (vector<16xi1>, vector<16xf32>, vector<16xi32>)
        %ge3A_172 = arith.cmpf oge, %scan3A_120, %masked_sort3A_170 : vector<16xf32>
        %select_n3A_173 = arith.select %ge3A_172, %scan3A_120, %masked_sort3A_170 : vector<16xi1>, vector<16xf32>
        %select_n3A_174 = arith.select %ge3A_172, %scan3A_121, %masked_sort3A_171 : vector<16xi1>, vector<16xi32>
        %masked_sort3A_175 = arith.constant dense<true> : vector<16xi1>
        %masked_sort3A_176, %masked_sort3A_177, %masked_sort3A_178 = tpu.sort %select_n3A_173, %select_n3A_174 masked %masked_sort3A_175 : (vector<16xf32>, vector<16xi32>, vector<16xi1>) -> (vector<16xi1>, vector<16xf32>, vector<16xi32>)
        %mul3A_179 = arith.constant 128 : i32
        %mul3A_180 = arith.muli %scan3A_117, %mul3A_179 : i32
        %add3A_181 = arith.constant 32 : i32
        %add3A_182 = arith.addi %mul3A_180, %add3A_181 : i32
        %get3A_183 = arith.index_cast %add3A_182 : i32 to index
        %get3A_184 = tpu.vector_load %arg5[%get3A_183] {strides = array<i32>} : memref<8192xf32, #tpu.memory_space<vmem>>, vector<16xf32>,
        %mul3A_185 = arith.constant 128 : i32
        %mul3A_186 = arith.muli %scan3A_117, %mul3A_185 : i32
        %add3A_187 = arith.constant 32 : i32
        %add3A_188 = arith.addi %mul3A_186, %add3A_187 : i32
        %add3A_189 = vector.broadcast %add3A_188 : i32 to vector<16xi32>
        %add3A_190 = arith.addi %iota3A, %add3A_189 : vector<16xi32>
        %masked_sort3A_191 = arith.constant dense<true> : vector<16xi1>
        %masked_sort3A_192, %masked_sort3A_193, %masked_sort3A_194 = tpu.sort %get3A_184, %add3A_190 masked %masked_sort3A_191 {descending = true} : (vector<16xf32>, vector<16xi32>, vector<16xi1>) -> (vector<16xi1>, vector<16xf32>, vector<16xi32>)
        %ge3A_195 = arith.cmpf oge, %scan3A_122, %masked_sort3A_193 : vector<16xf32>
        %select_n3A_196 = arith.select %ge3A_195, %scan3A_122, %masked_sort3A_193 : vector<16xi1>, vector<16xf32>
        %select_n3A_197 = arith.select %ge3A_195, %scan3A_123, %masked_sort3A_194 : vector<16xi1>, vector<16xi32>
        %masked_sort3A_198 = arith.constant dense<true> : vector<16xi1>
        %masked_sort3A_199, %masked_sort3A_200, %masked_sort3A_201 = tpu.sort %select_n3A_196, %select_n3A_197 masked %masked_sort3A_198 : (vector<16xf32>, vector<16xi32>, vector<16xi1>) -> (vector<16xi1>, vector<16xf32>, vector<16xi32>)
        %mul3A_202 = arith.constant 128 : i32
        %mul3A_203 = arith.muli %scan3A_117, %mul3A_202 : i32
        %add3A_204 = arith.constant 48 : i32
        %add3A_205 = arith.addi %mul3A_203, %add3A_204 : i32
        %get3A_206 = arith.index_cast %add3A_205 : i32 to index
        %get3A_207 = tpu.vector_load %arg5[%get3A_206] {strides = array<i32>} : memref<8192xf32, #tpu.memory_space<vmem>>, vector<16xf32>,
        %mul3A_208 = arith.constant 128 : i32
        %mul3A_209 = arith.muli %scan3A_117, %mul3A_208 : i32
        %add3A_210 = arith.constant 48 : i32
        %add3A_211 = arith.addi %mul3A_209, %add3A_210 : i32
        %add3A_212 = vector.broadcast %add3A_211 : i32 to vector<16xi32>
        %add3A_213 = arith.addi %iota3A, %add3A_212 : vector<16xi32>
        %masked_sort3A_214 = arith.constant dense<true> : vector<16xi1>
        %masked_sort3A_215, %masked_sort3A_216, %masked_sort3A_217 = tpu.sort %get3A_207, %add3A_213 masked %masked_sort3A_214 {descending = true} : (vector<16xf32>, vector<16xi32>, vector<16xi1>) -> (vector<16xi1>, vector<16xf32>, vector<16xi32>)
        %ge3A_218 = arith.cmpf oge, %scan3A_124, %masked_sort3A_216 : vector<16xf32>
        %select_n3A_219 = arith.select %ge3A_218, %scan3A_124, %masked_sort3A_216 : vector<16xi1>, vector<16xf32>
        %select_n3A_220 = arith.select %ge3A_218, %scan3A_125, %masked_sort3A_217 : vector<16xi1>, vector<16xi32>
        %masked_sort3A_221 = arith.constant dense<true> : vector<16xi1>
        %masked_sort3A_222, %masked_sort3A_223, %masked_sort3A_224 = tpu.sort %select_n3A_219, %select_n3A_220 masked %masked_sort3A_221 : (vector<16xf32>, vector<16xi32>, vector<16xi1>) -> (vector<16xi1>, vector<16xf32>, vector<16xi32>)
        %mul3A_225 = arith.constant 128 : i32
        %mul3A_226 = arith.muli %scan3A_117, %mul3A_225 : i32
        %add3A_227 = arith.constant 64 : i32
        %add3A_228 = arith.addi %mul3A_226, %add3A_227 : i32
        %get3A_229 = arith.index_cast %add3A_228 : i32 to index
        %get3A_230 = tpu.vector_load %arg5[%get3A_229] {strides = array<i32>} : memref<8192xf32, #tpu.memory_space<vmem>>, vector<16xf32>,
        %mul3A_231 = arith.constant 128 : i32
        %mul3A_232 = arith.muli %scan3A_117, %mul3A_231 : i32
        %add3A_233 = arith.constant 64 : i32
        %add3A_234 = arith.addi %mul3A_232, %add3A_233 : i32
        %add3A_235 = vector.broadcast %add3A_234 : i32 to vector<16xi32>
        %add3A_236 = arith.addi %iota3A, %add3A_235 : vector<16xi32>
        %masked_sort3A_237 = arith.constant dense<true> : vector<16xi1>
        %masked_sort3A_238, %masked_sort3A_239, %masked_sort3A_240 = tpu.sort %get3A_230, %add3A_236 masked %masked_sort3A_237 {descending = true} : (vector<16xf32>, vector<16xi32>, vector<16xi1>) -> (vector<16xi1>, vector<16xf32>, vector<16xi32>)
        %ge3A_241 = arith.cmpf oge, %scan3A_126, %masked_sort3A_239 : vector<16xf32>
        %select_n3A_242 = arith.select %ge3A_241, %scan3A_126, %masked_sort3A_239 : vector<16xi1>, vector<16xf32>
        %select_n3A_243 = arith.select %ge3A_241, %scan3A_127, %masked_sort3A_240 : vector<16xi1>, vector<16xi32>
        %masked_sort3A_244 = arith.constant dense<true> : vector<16xi1>
        %masked_sort3A_245, %masked_sort3A_246, %masked_sort3A_247 = tpu.sort %select_n3A_242, %select_n3A_243 masked %masked_sort3A_244 : (vector<16xf32>, vector<16xi32>, vector<16xi1>) -> (vector<16xi1>, vector<16xf32>, vector<16xi32>)
        %mul3A_248 = arith.constant 128 : i32
        %mul3A_249 = arith.muli %scan3A_117, %mul3A_248 : i32
        %add3A_250 = arith.constant 80 : i32
        %add3A_251 = arith.addi %mul3A_249, %add3A_250 : i32
        %get3A_252 = arith.index_cast %add3A_251 : i32 to index
        %get3A_253 = tpu.vector_load %arg5[%get3A_252] {strides = array<i32>} : memref<8192xf32, #tpu.memory_space<vmem>>, vector<16xf32>,
        %mul3A_254 = arith.constant 128 : i32
        %mul3A_255 = arith.muli %scan3A_117, %mul3A_254 : i32
        %add3A_256 = arith.constant 80 : i32
        %add3A_257 = arith.addi %mul3A_255, %add3A_256 : i32
        %add3A_258 = vector.broadcast %add3A_257 : i32 to vector<16xi32>
        %add3A_259 = arith.addi %iota3A, %add3A_258 : vector<16xi32>
        %masked_sort3A_260 = arith.constant dense<true> : vector<16xi1>
        %masked_sort3A_261, %masked_sort3A_262, %masked_sort3A_263 = tpu.sort %get3A_253, %add3A_259 masked %masked_sort3A_260 {descending = true} : (vector<16xf32>, vector<16xi32>, vector<16xi1>) -> (vector<16xi1>, vector<16xf32>, vector<16xi32>)
        %ge3A_264 = arith.cmpf oge, %scan3A_128, %masked_sort3A_262 : vector<16xf32>
        %select_n3A_265 = arith.select %ge3A_264, %scan3A_128, %masked_sort3A_262 : vector<16xi1>, vector<16xf32>
        %select_n3A_266 = arith.select %ge3A_264, %scan3A_129, %masked_sort3A_263 : vector<16xi1>, vector<16xi32>
        %masked_sort3A_267 = arith.constant dense<true> : vector<16xi1>
        %masked_sort3A_268, %masked_sort3A_269, %masked_sort3A_270 = tpu.sort %select_n3A_265, %select_n3A_266 masked %masked_sort3A_267 : (vector<16xf32>, vector<16xi32>, vector<16xi1>) -> (vector<16xi1>, vector<16xf32>, vector<16xi32>)
        %mul3A_271 = arith.constant 128 : i32
        %mul3A_272 = arith.muli %scan3A_117, %mul3A_271 : i32
        %add3A_273 = arith.constant 96 : i32
        %add3A_274 = arith.addi %mul3A_272, %add3A_273 : i32
        %get3A_275 = arith.index_cast %add3A_274 : i32 to index
        %get3A_276 = tpu.vector_load %arg5[%get3A_275] {strides = array<i32>} : memref<8192xf32, #tpu.memory_space<vmem>>, vector<16xf32>,
        %mul3A_277 = arith.constant 128 : i32
        %mul3A_278 = arith.muli %scan3A_117, %mul3A_277 : i32
        %add3A_279 = arith.constant 96 : i32
        %add3A_280 = arith.addi %mul3A_278, %add3A_279 : i32
        %add3A_281 = vector.broadcast %add3A_280 : i32 to vector<16xi32>
        %add3A_282 = arith.addi %iota3A, %add3A_281 : vector<16xi32>
        %masked_sort3A_283 = arith.constant dense<true> : vector<16xi1>
        %masked_sort3A_284, %masked_sort3A_285, %masked_sort3A_286 = tpu.sort %get3A_276, %add3A_282 masked %masked_sort3A_283 {descending = true} : (vector<16xf32>, vector<16xi32>, vector<16xi1>) -> (vector<16xi1>, vector<16xf32>, vector<16xi32>)
        %ge3A_287 = arith.cmpf oge, %scan3A_130, %masked_sort3A_285 : vector<16xf32>
        %select_n3A_288 = arith.select %ge3A_287, %scan3A_130, %masked_sort3A_285 : vector<16xi1>, vector<16xf32>
        %select_n3A_289 = arith.select %ge3A_287, %scan3A_131, %masked_sort3A_286 : vector<16xi1>, vector<16xi32>
        %masked_sort3A_290 = arith.constant dense<true> : vector<16xi1>
        %masked_sort3A_291, %masked_sort3A_292, %masked_sort3A_293 = tpu.sort %select_n3A_288, %select_n3A_289 masked %masked_sort3A_290 : (vector<16xf32>, vector<16xi32>, vector<16xi1>) -> (vector<16xi1>, vector<16xf32>, vector<16xi32>)
        %mul3A_294 = arith.constant 128 : i32
        %mul3A_295 = arith.muli %scan3A_117, %mul3A_294 : i32
        %add3A_296 = arith.constant 112 : i32
        %add3A_297 = arith.addi %mul3A_295, %add3A_296 : i32
        %get3A_298 = arith.index_cast %add3A_297 : i32 to index
        %get3A_299 = tpu.vector_load %arg5[%get3A_298] {strides = array<i32>} : memref<8192xf32, #tpu.memory_space<vmem>>, vector<16xf32>,
        %mul3A_300 = arith.constant 128 : i32
        %mul3A_301 = arith.muli %scan3A_117, %mul3A_300 : i32
        %add3A_302 = arith.constant 112 : i32
        %add3A_303 = arith.addi %mul3A_301, %add3A_302 : i32
        %add3A_304 = vector.broadcast %add3A_303 : i32 to vector<16xi32>
        %add3A_305 = arith.addi %iota3A, %add3A_304 : vector<16xi32>
        %masked_sort3A_306 = arith.constant dense<true> : vector<16xi1>
        %masked_sort3A_307, %masked_sort3A_308, %masked_sort3A_309 = tpu.sort %get3A_299, %add3A_305 masked %masked_sort3A_306 {descending = true} : (vector<16xf32>, vector<16xi32>, vector<16xi1>) -> (vector<16xi1>, vector<16xf32>, vector<16xi32>)
        %ge3A_310 = arith.cmpf oge, %scan3A_132, %masked_sort3A_308 : vector<16xf32>
        %select_n3A_311 = arith.select %ge3A_310, %scan3A_132, %masked_sort3A_308 : vector<16xi1>, vector<16xf32>
        %select_n3A_312 = arith.select %ge3A_310, %scan3A_133, %masked_sort3A_309 : vector<16xi1>, vector<16xi32>
        %masked_sort3A_313 = arith.constant dense<true> : vector<16xi1>
        %masked_sort3A_314, %masked_sort3A_315, %masked_sort3A_316 = tpu.sort %select_n3A_311, %select_n3A_312 masked %masked_sort3A_313 : (vector<16xf32>, vector<16xi32>, vector<16xi1>) -> (vector<16xi1>, vector<16xf32>, vector<16xi32>)
        scf.yield %masked_sort3A_154, %masked_sort3A_155, %masked_sort3A_177, %masked_sort3A_178, %masked_sort3A_200, %masked_sort3A_201, %masked_sort3A_223, %masked_sort3A_224, %masked_sort3A_246, %masked_sort3A_247, %masked_sort3A_269, %masked_sort3A_270, %masked_sort3A_292, %masked_sort3A_293, %masked_sort3A_315, %masked_sort3A_316 : vector<16xf32>, vector<16xi32>, vector<16xf32>, vector<16xi32>, vector<16xf32>, vector<16xi32>, vector<16xf32>, vector<16xi32>, vector<16xf32>, vector<16xi32>, vector<16xf32>, vector<16xi32>, vector<16xf32>, vector<16xi32>, vector<16xf32>, vector<16xi32>
      }
      %scan3A_30 = arith.constant 64 : i32
      %masked_sort3A = arith.constant dense<true> : vector<16xi1>
      %masked_sort3A_31, %masked_sort3A_32, %masked_sort3A_33 = tpu.sort %scan3A_29#2, %scan3A_29#3 masked %masked_sort3A {descending = true} : (vector<16xf32>, vector<16xi32>, vector<16xi1>) -> (vector<16xi1>, vector<16xf32>, vector<16xi32>)
      %ge3A = arith.cmpf oge, %scan3A_29#0, %masked_sort3A_32 : vector<16xf32>
      %select_n3A_34 = arith.select %ge3A, %scan3A_29#0, %masked_sort3A_32 : vector<16xi1>, vector<16xf32>
      %select_n3A_35 = arith.select %ge3A, %scan3A_29#1, %masked_sort3A_33 : vector<16xi1>, vector<16xi32>
      %masked_sort3A_36 = arith.constant dense<true> : vector<16xi1>
      %masked_sort3A_37, %masked_sort3A_38, %masked_sort3A_39 = tpu.sort %select_n3A_34, %select_n3A_35 masked %masked_sort3A_36 : (vector<16xf32>, vector<16xi32>, vector<16xi1>) -> (vector<16xi1>, vector<16xf32>, vector<16xi32>)
      %masked_sort3A_40 = arith.constant dense<true> : vector<16xi1>
      %masked_sort3A_41, %masked_sort3A_42, %masked_sort3A_43 = tpu.sort %scan3A_29#6, %scan3A_29#7 masked %masked_sort3A_40 {descending = true} : (vector<16xf32>, vector<16xi32>, vector<16xi1>) -> (vector<16xi1>, vector<16xf32>, vector<16xi32>)
      %ge3A_44 = arith.cmpf oge, %scan3A_29#4, %masked_sort3A_42 : vector<16xf32>
      %select_n3A_45 = arith.select %ge3A_44, %scan3A_29#4, %masked_sort3A_42 : vector<16xi1>, vector<16xf32>
      %select_n3A_46 = arith.select %ge3A_44, %scan3A_29#5, %masked_sort3A_43 : vector<16xi1>, vector<16xi32>
      %masked_sort3A_47 = arith.constant dense<true> : vector<16xi1>
      %masked_sort3A_48, %masked_sort3A_49, %masked_sort3A_50 = tpu.sort %select_n3A_45, %select_n3A_46 masked %masked_sort3A_47 : (vector<16xf32>, vector<16xi32>, vector<16xi1>) -> (vector<16xi1>, vector<16xf32>, vector<16xi32>)
      %masked_sort3A_51 = arith.constant dense<true> : vector<16xi1>
      %masked_sort3A_52, %masked_sort3A_53, %masked_sort3A_54 = tpu.sort %scan3A_29#10, %scan3A_29#11 masked %masked_sort3A_51 {descending = true} : (vector<16xf32>, vector<16xi32>, vector<16xi1>) -> (vector<16xi1>, vector<16xf32>, vector<16xi32>)
      %ge3A_55 = arith.cmpf oge, %scan3A_29#8, %masked_sort3A_53 : vector<16xf32>
      %select_n3A_56 = arith.select %ge3A_55, %scan3A_29#8, %masked_sort3A_53 : vector<16xi1>, vector<16xf32>
      %select_n3A_57 = arith.select %ge3A_55, %scan3A_29#9, %masked_sort3A_54 : vector<16xi1>, vector<16xi32>
      %masked_sort3A_58 = arith.constant dense<true> : vector<16xi1>
      %masked_sort3A_59, %masked_sort3A_60, %masked_sort3A_61 = tpu.sort %select_n3A_56, %select_n3A_57 masked %masked_sort3A_58 : (vector<16xf32>, vector<16xi32>, vector<16xi1>) -> (vector<16xi1>, vector<16xf32>, vector<16xi32>)
      %masked_sort3A_62 = arith.constant dense<true> : vector<16xi1>
      %masked_sort3A_63, %masked_sort3A_64, %masked_sort3A_65 = tpu.sort %scan3A_29#14, %scan3A_29#15 masked %masked_sort3A_62 {descending = true} : (vector<16xf32>, vector<16xi32>, vector<16xi1>) -> (vector<16xi1>, vector<16xf32>, vector<16xi32>)
      %ge3A_66 = arith.cmpf oge, %scan3A_29#12, %masked_sort3A_64 : vector<16xf32>
      %select_n3A_67 = arith.select %ge3A_66, %scan3A_29#12, %masked_sort3A_64 : vector<16xi1>, vector<16xf32>
      %select_n3A_68 = arith.select %ge3A_66, %scan3A_29#13, %masked_sort3A_65 : vector<16xi1>, vector<16xi32>
      %masked_sort3A_69 = arith.constant dense<true> : vector<16xi1>
      %masked_sort3A_70, %masked_sort3A_71, %masked_sort3A_72 = tpu.sort %select_n3A_67, %select_n3A_68 masked %masked_sort3A_69 : (vector<16xf32>, vector<16xi32>, vector<16xi1>) -> (vector<16xi1>, vector<16xf32>, vector<16xi32>)
      %masked_sort3A_73 = arith.constant dense<true> : vector<16xi1>
      %masked_sort3A_74, %masked_sort3A_75, %masked_sort3A_76 = tpu.sort %masked_sort3A_49, %masked_sort3A_50 masked %masked_sort3A_73 {descending = true} : (vector<16xf32>, vector<16xi32>, vector<16xi1>) -> (vector<16xi1>, vector<16xf32>, vector<16xi32>)
      %ge3A_77 = arith.cmpf oge, %masked_sort3A_38, %masked_sort3A_75 : vector<16xf32>
      %select_n3A_78 = arith.select %ge3A_77, %masked_sort3A_38, %masked_sort3A_75 : vector<16xi1>, vector<16xf32>
      %select_n3A_79 = arith.select %ge3A_77, %masked_sort3A_39, %masked_sort3A_76 : vector<16xi1>, vector<16xi32>
      %masked_sort3A_80 = arith.constant dense<true> : vector<16xi1>
      %masked_sort3A_81, %masked_sort3A_82, %masked_sort3A_83 = tpu.sort %select_n3A_78, %select_n3A_79 masked %masked_sort3A_80 : (vector<16xf32>, vector<16xi32>, vector<16xi1>) -> (vector<16xi1>, vector<16xf32>, vector<16xi32>)
      %masked_sort3A_84 = arith.constant dense<true> : vector<16xi1>
      %masked_sort3A_85, %masked_sort3A_86, %masked_sort3A_87 = tpu.sort %masked_sort3A_71, %masked_sort3A_72 masked %masked_sort3A_84 {descending = true} : (vector<16xf32>, vector<16xi32>, vector<16xi1>) -> (vector<16xi1>, vector<16xf32>, vector<16xi32>)
      %ge3A_88 = arith.cmpf oge, %masked_sort3A_60, %masked_sort3A_86 : vector<16xf32>
      %select_n3A_89 = arith.select %ge3A_88, %masked_sort3A_60, %masked_sort3A_86 : vector<16xi1>, vector<16xf32>
      %select_n3A_90 = arith.select %ge3A_88, %masked_sort3A_61, %masked_sort3A_87 : vector<16xi1>, vector<16xi32>
      %masked_sort3A_91 = arith.constant dense<true> : vector<16xi1>
      %masked_sort3A_92, %masked_sort3A_93, %masked_sort3A_94 = tpu.sort %select_n3A_89, %select_n3A_90 masked %masked_sort3A_91 : (vector<16xf32>, vector<16xi32>, vector<16xi1>) -> (vector<16xi1>, vector<16xf32>, vector<16xi32>)
      %masked_sort3A_95 = arith.constant dense<true> : vector<16xi1>
      %masked_sort3A_96, %masked_sort3A_97, %masked_sort3A_98 = tpu.sort %masked_sort3A_93, %masked_sort3A_94 masked %masked_sort3A_95 {descending = true} : (vector<16xf32>, vector<16xi32>, vector<16xi1>) -> (vector<16xi1>, vector<16xf32>, vector<16xi32>)
      %ge3A_99 = arith.cmpf oge, %masked_sort3A_82, %masked_sort3A_97 : vector<16xf32>
      %select_n3A_100 = arith.select %ge3A_99, %masked_sort3A_82, %masked_sort3A_97 : vector<16xi1>, vector<16xf32>
      %select_n3A_101 = arith.select %ge3A_99, %masked_sort3A_83, %masked_sort3A_98 : vector<16xi1>, vector<16xi32>
      %masked_sort3A_102 = arith.constant dense<true> : vector<16xi1>
      %masked_sort3A_103, %masked_sort3A_104, %masked_sort3A_105 = tpu.sort %select_n3A_100, %select_n3A_101 masked %masked_sort3A_102 : (vector<16xf32>, vector<16xi32>, vector<16xi1>) -> (vector<16xi1>, vector<16xf32>, vector<16xi32>)
      %mul3A_106 = arith.constant 8192 : i32
      %mul3A_107 = arith.muli %add3A, %mul3A_106 : i32
      %add3A_108 = vector.broadcast %mul3A_107 : i32 to vector<16xi32>
      %add3A_109 = arith.addi %masked_sort3A_105, %add3A_108 : vector<16xi32>
      "tpu.region"() ({
        %run_scoped3A = tpu.sem_alloc : memref<!tpu.dma_semaphore, #tpu.memory_space<semaphore_mem>>
        %dma_start3A = arith.constant 0 : i32
        %dma_start3A_117 = arith.constant 0 : i32
        %dma_start3A_118 = tpu.memref_slice %arg3[%dma_start3A, %dma_start3A_117] : memref<32768x768xf32, #tpu.memory_space<hbm>> -> memref<32768x768xf32, #tpu.memory_space<hbm>>
        tpu.enqueue_indirect_dma source(%dma_start3A_118 : memref<32768x768xf32, #tpu.memory_space<hbm>>) target(%arg6 : memref<16x768xf32, #tpu.memory_space<vmem>>) offsets(%add3A_109 : vector<16xi32>) semaphore(%run_scoped3A : memref<!tpu.dma_semaphore, #tpu.memory_space<semaphore_mem>>)
        %dma_wait3A = arith.constant 0 : i32
        %dma_wait3A_119 = arith.constant 0 : i32
        %dma_wait3A_120 = tpu.memref_slice %arg3[%dma_wait3A, %dma_wait3A_119] : memref<32768x768xf32, #tpu.memory_space<hbm>> -> memref<32768x768xf32, #tpu.memory_space<hbm>>
        tpu.wait_indirect_dma semaphore(%run_scoped3A : memref<!tpu.dma_semaphore, #tpu.memory_space<semaphore_mem>>) src(%dma_wait3A_120 : memref<32768x768xf32, #tpu.memory_space<hbm>>) dst(%arg6 : memref<16x768xf32, #tpu.memory_space<vmem>>)
        tpu.yield
      }) : () -> ()
      %scan3A_110 = arith.constant 0 : i32
      %scan3A_111 = arith.constant 0 : i32
      %scan3A_112 = arith.constant 48 : i32
      %scan3A_113 = arith.addi %scan3A_111, %scan3A_112 : i32
      %scan3A_114 = arith.constant 1 : i32
      %scan3A_115 = scf.for %scan3A_117 = %scan3A_111 to %scan3A_113 step %scan3A_114 iter_args(%scan3A_118 = %scan3A_110) -> (i32)  : i32 {
        %broadcast_in_dim3A_119 = arith.constant 0.000000e+00 : f32
        %broadcast_in_dim3A_120 = vector.broadcast %broadcast_in_dim3A_119 : f32 to vector<16xf32>
        %scan3A_121 = arith.constant 0 : i32
        %scan3A_122 = arith.constant 16 : i32
        %scan3A_123 = arith.addi %scan3A_121, %scan3A_122 : i32
        %scan3A_124 = arith.constant 1 : i32
        %scan3A_125 = scf.for %scan3A_131 = %scan3A_121 to %scan3A_123 step %scan3A_124 iter_args(%scan3A_132 = %broadcast_in_dim3A_120) -> (vector<16xf32>)  : i32 {
          %mul3A_133 = arith.constant 16 : i32
          %mul3A_134 = arith.muli %scan3A_117, %mul3A_133 : i32
          %get3A = arith.index_cast %scan3A_131 : i32 to index
          %get3A_135 = arith.index_cast %mul3A_134 : i32 to index
          %get3A_136 = tpu.vector_load %arg6[%get3A, %get3A_135] {strides = array<i32>} : memref<16x768xf32, #tpu.memory_space<vmem>>, vector<16xf32>,
          %add3A_137 = arith.addf %scan3A_132, %get3A_136 : vector<16xf32>
          scf.yield %add3A_137 : vector<16xf32>
        }
        %scan3A_126 = arith.constant 16 : i32
        %mul3A_127 = arith.constant 16 : i32
        %mul3A_128 = arith.muli %scan3A_117, %mul3A_127 : i32
        %swap3A = arith.index_cast %mul3A_128 : i32 to index
        %swap3A_129 = tpu.vector_load %arg7[%swap3A] {strides = array<i32>} : memref<768xf32, #tpu.memory_space<vmem>>, vector<16xf32>,
        tpu.vector_store %arg7[%swap3A], %scan3A_125 {strides = array<i32>} : memref<768xf32, #tpu.memory_space<vmem>>, vector<16xf32>,
        %scan3A_130 = arith.constant 0 : i32
        scf.yield %scan3A_130 : i32
      }
      %scan3A_116 = arith.constant 48 : i32
      "tpu.region"() ({
        %run_scoped3A = tpu.sem_alloc : memref<!tpu.dma_semaphore, #tpu.memory_space<semaphore_mem>>
        %dma_start3A = arith.constant 0 : i32
        %dma_start3A_117 = tpu.memref_slice %arg4[%add3A, %dma_start3A] : memref<4x768xf32, #tpu.memory_space<hbm>> -> memref<1x768xf32, #tpu.memory_space<hbm>>
        %dma_start3A_118 = tpu.memref_squeeze %dma_start3A_117 : memref<1x768xf32, #tpu.memory_space<hbm>> -> memref<768xf32, #tpu.memory_space<hbm>>
        %dma_start3A_119 = arith.constant 0 : i32
        %dma_start3A_120 = tpu.memref_slice %arg4[%add3A, %dma_start3A_119] : memref<4x768xf32, #tpu.memory_space<hbm>> -> memref<1x768xf32, #tpu.memory_space<hbm>>
        %dma_start3A_121 = tpu.memref_squeeze %dma_start3A_120 : memref<1x768xf32, #tpu.memory_space<hbm>> -> memref<768xf32, #tpu.memory_space<hbm>>
        tpu.enqueue_dma source(%arg7 : memref<768xf32, #tpu.memory_space<vmem>>) target(%dma_start3A_121 : memref<768xf32, #tpu.memory_space<hbm>>) target_semaphore(%run_scoped3A : memref<!tpu.dma_semaphore, #tpu.memory_space<semaphore_mem>>)
        %dma_wait3A = arith.constant 0 : i32
        %dma_wait3A_122 = tpu.memref_slice %arg4[%add3A, %dma_wait3A] : memref<4x768xf32, #tpu.memory_space<hbm>> -> memref<1x768xf32, #tpu.memory_space<hbm>>
        %dma_wait3A_123 = tpu.memref_squeeze %dma_wait3A_122 : memref<1x768xf32, #tpu.memory_space<hbm>> -> memref<768xf32, #tpu.memory_space<hbm>>
        %dma_wait3A_124 = arith.constant 0 : i32
        %dma_wait3A_125 = tpu.memref_slice %arg4[%add3A, %dma_wait3A_124] : memref<4x768xf32, #tpu.memory_space<hbm>> -> memref<1x768xf32, #tpu.memory_space<hbm>>
        %dma_wait3A_126 = tpu.memref_squeeze %dma_wait3A_125 : memref<1x768xf32, #tpu.memory_space<hbm>> -> memref<768xf32, #tpu.memory_space<hbm>>
        tpu.wait_dma2 semaphore(%run_scoped3A : memref<!tpu.dma_semaphore, #tpu.memory_space<semaphore_mem>>) src(%arg7 : memref<768xf32, #tpu.memory_space<vmem>>) dst(%dma_wait3A_126 : memref<768xf32, #tpu.memory_space<hbm>>)
        tpu.yield
      }) : () -> ()
    } else {
    }
    return
  }
}

module attributes {stable_mosaic.version = 14 : i64} {
  func.func @_head_body(%arg0: memref<4x768xf32, #tpu.memory_space<vmem>>, %arg1: memref<4x768xf32, #tpu.memory_space<vmem>>, %arg2: memref<384x768xf32, #tpu.memory_space<vmem>>, %arg3: memref<1x384xf32, #tpu.memory_space<vmem>>, %arg4: memref<1000x384xf32, #tpu.memory_space<vmem>>, %arg5: memref<1x1000xf32, #tpu.memory_space<vmem>>, %arg6: memref<16x1000xf32, #tpu.memory_space<vmem>>) attributes {dimension_semantics = [], scalar_prefetch = 0 : i64, scratch_operands = 0 : i64, tpu.core_type = #tpu.core_type<tc>} {
    %get3A = arith.constant 0 : index
    %get3A_0 = arith.constant 0 : index
    %get3A_1 = vector.load %arg0[%get3A, %get3A_0] : memref<4x768xf32, #tpu.memory_space<vmem>>, vector<4x768xf32>
    %get3A_2 = arith.constant 0 : index
    %get3A_3 = arith.constant 0 : index
    %get3A_4 = vector.load %arg1[%get3A_2, %get3A_3] : memref<4x768xf32, #tpu.memory_space<vmem>>, vector<4x768xf32>
    %mul3A = arith.constant 1.600000e+01 : f32
    %mul3A_5 = vector.broadcast %mul3A : f32 to vector<4x768xf32>
    %mul3A_6 = arith.mulf %mul3A_5, %get3A_1 : vector<4x768xf32>
    %sub3A = arith.subf %get3A_4, %mul3A_6 : vector<4x768xf32>
    %mul3A_7 = arith.constant 1.22070313E-4 : f32
    %mul3A_8 = vector.broadcast %mul3A_7 : f32 to vector<4x768xf32>
    %mul3A_9 = arith.mulf %sub3A, %mul3A_8 : vector<4x768xf32>
    %broadcast_in_dim3A = vector.shape_cast %get3A_1 : vector<4x768xf32> to vector<4x1x768xf32>
    %broadcast_in_dim3A_10 = vector.shape_cast %broadcast_in_dim3A : vector<4x1x768xf32> to vector<4x1x768xf32>
    %broadcast_in_dim3A_11 = vector.broadcast %broadcast_in_dim3A_10 : vector<4x1x768xf32> to vector<4x4x768xf32>
    %reshape3A = vector.shape_cast %broadcast_in_dim3A_11 : vector<4x4x768xf32> to vector<16x768xf32>
    %broadcast_in_dim3A_12 = vector.shape_cast %mul3A_9 : vector<4x768xf32> to vector<4x1x768xf32>
    %broadcast_in_dim3A_13 = vector.shape_cast %broadcast_in_dim3A_12 : vector<4x1x768xf32> to vector<4x1x768xf32>
    %broadcast_in_dim3A_14 = vector.broadcast %broadcast_in_dim3A_13 : vector<4x1x768xf32> to vector<4x4x768xf32>
    %reshape3A_15 = vector.shape_cast %broadcast_in_dim3A_14 : vector<4x4x768xf32> to vector<16x768xf32>
    %iota3A = tpu.iota {dimensions = array<i32: 0>} : vector<16x1xi32>
    %jit3A = arith.constant 4 : i32
    %eq3A = arith.constant 0 : i32
    %eq3A_16 = arith.cmpi eq, %jit3A, %eq3A : i32
    %jit3A_17 = arith.constant 1 : i32
    %select_n3A = arith.select %eq3A_16, %jit3A_17, %jit3A : i32
    %rem3A = vector.broadcast %select_n3A : i32 to vector<16x1xi32>
    %rem3A_18 = arith.remsi %iota3A, %rem3A : vector<16x1xi32>
    %ne3A = arith.constant 0 : i32
    %ne3A_19 = vector.broadcast %ne3A : i32 to vector<16x1xi32>
    %ne3A_20 = arith.cmpi ne, %rem3A_18, %ne3A_19 : vector<16x1xi32>
    %lt3A = arith.constant 0 : i32
    %lt3A_21 = vector.broadcast %lt3A : i32 to vector<16x1xi32>
    %lt3A_22 = arith.cmpi slt, %rem3A_18, %lt3A_21 : vector<16x1xi32>
    %lt3A_23 = arith.constant 0 : i32
    %lt3A_24 = arith.cmpi slt, %select_n3A, %lt3A_23 : i32
    %ne3A_25 = vector.broadcast %lt3A_24 : i1 to vector<16x1xi1>
    %ne3A_26 = vector.broadcast %ne3A_25 : vector<16x1xi1> to vector<16x1xi1>
    %ne3A_27 = arith.xori %lt3A_22, %ne3A_26 : vector<16x1xi1>
    %and3A = arith.andi %ne3A_27, %ne3A_20 : vector<16x1xi1>
    %add3A = vector.broadcast %select_n3A : i32 to vector<16x1xi32>
    %add3A_28 = arith.addi %rem3A_18, %add3A : vector<16x1xi32>
    %select_n3A_29 = arith.select %and3A, %add3A_28, %rem3A_18 : vector<16x1xi1>, vector<16x1xi32>
    %convert_element_type3A = arith.sitofp %select_n3A_29 : vector<16x1xi32> to vector<16x1xf32>
    %mul3A_30 = arith.constant 0.333333343 : f32
    %mul3A_31 = vector.broadcast %mul3A_30 : f32 to vector<16x1xf32>
    %mul3A_32 = arith.mulf %convert_element_type3A, %mul3A_31 : vector<16x1xf32>
    %mul3A_33 = vector.broadcast %mul3A_32 : vector<16x1xf32> to vector<16x768xf32>
    %mul3A_34 = arith.mulf %mul3A_33, %reshape3A_15 : vector<16x768xf32>
    %sub3A_35 = arith.subf %reshape3A, %mul3A_34 : vector<16x768xf32>
    %get3A_36 = arith.constant 0 : index
    %get3A_37 = arith.constant 0 : index
    %get3A_38 = vector.load %arg2[%get3A_36, %get3A_37] : memref<384x768xf32, #tpu.memory_space<vmem>>, vector<384x768xf32>
    %dot_general3A = arith.constant dense<0.000000e+00> : vector<16x384xf32>
    %dot_general3A_39 = tpu.matmul %sub3A_35, %get3A_38, %dot_general3A {dimension_numbers = #tpu.dot_dimension_numbers<[1], [1], [0], [0], [0, 0, 1, 0], [], []>, transpose_lhs_hint = false} : vector<16x768xf32>, vector<384x768xf32>, vector<16x384xf32> -> vector<16x384xf32>
    %get3A_40 = arith.constant 0 : index
    %get3A_41 = arith.constant 0 : index
    %get3A_42 = vector.load %arg3[%get3A_40, %get3A_41] : memref<1x384xf32, #tpu.memory_space<vmem>>, vector<1x384xf32>
    %add3A_43 = vector.broadcast %get3A_42 : vector<1x384xf32> to vector<16x384xf32>
    %add3A_44 = arith.addf %dot_general3A_39, %add3A_43 : vector<16x384xf32>
    %mul3A_45 = arith.constant 5.000000e-01 : f32
    %mul3A_46 = vector.broadcast %mul3A_45 : f32 to vector<16x384xf32>
    %mul3A_47 = arith.mulf %mul3A_46, %add3A_44 : vector<16x384xf32>
    %mul3A_48 = arith.constant 0.707106769 : f32
    %mul3A_49 = vector.broadcast %mul3A_48 : f32 to vector<16x384xf32>
    %mul3A_50 = arith.mulf %add3A_44, %mul3A_49 : vector<16x384xf32>
    %erf3A = math.erf %mul3A_50 : vector<16x384xf32>
    %add3A_51 = arith.constant 1.000000e+00 : f32
    %add3A_52 = vector.broadcast %add3A_51 : f32 to vector<16x384xf32>
    %add3A_53 = arith.addf %add3A_52, %erf3A : vector<16x384xf32>
    %mul3A_54 = arith.mulf %mul3A_47, %add3A_53 : vector<16x384xf32>
    %get3A_55 = arith.constant 0 : index
    %get3A_56 = arith.constant 0 : index
    %get3A_57 = vector.load %arg4[%get3A_55, %get3A_56] : memref<1000x384xf32, #tpu.memory_space<vmem>>, vector<1000x384xf32>
    %dot_general3A_58 = arith.constant dense<0.000000e+00> : vector<16x1000xf32>
    %dot_general3A_59 = tpu.matmul %mul3A_54, %get3A_57, %dot_general3A_58 {dimension_numbers = #tpu.dot_dimension_numbers<[1], [1], [0], [0], [0, 0, 1, 0], [], []>, transpose_lhs_hint = false} : vector<16x384xf32>, vector<1000x384xf32>, vector<16x1000xf32> -> vector<16x1000xf32>
    %get3A_60 = arith.constant 0 : index
    %get3A_61 = arith.constant 0 : index
    %get3A_62 = vector.load %arg5[%get3A_60, %get3A_61] : memref<1x1000xf32, #tpu.memory_space<vmem>>, vector<1x1000xf32>
    %add3A_63 = vector.broadcast %get3A_62 : vector<1x1000xf32> to vector<16x1000xf32>
    %add3A_64 = arith.addf %dot_general3A_59, %add3A_63 : vector<16x1000xf32>
    %swap3A = arith.constant 0 : index
    %swap3A_65 = arith.constant 0 : index
    %swap3A_66 = vector.load %arg6[%swap3A, %swap3A_65] : memref<16x1000xf32, #tpu.memory_space<vmem>>, vector<16x1000xf32>
    tpu.vector_store %arg6[%swap3A, %swap3A_65], %add3A_64 {strides = array<i32>} : memref<16x1000xf32, #tpu.memory_space<vmem>>, vector<16x1000xf32>,
    return
  }
}

module attributes {stable_mosaic.version = 14 : i64} {
  func.func @_stats_body(%arg0: i32, %arg1: i32, %arg2: memref<4x512x768xf32, #tpu.memory_space<vmem>>, %arg3: memref<4x768xf32, #tpu.memory_space<vmem>>, %arg4: memref<4x512xf32, #tpu.memory_space<vmem>>, %arg5: memref<4x4096x768xf32, #tpu.memory_space<vmem>>) attributes {dimension_semantics = [#tpu.dimension_semantics<arbitrary>, #tpu.dimension_semantics<arbitrary>], iteration_bounds = array<i64: 2, 16>, scalar_prefetch = 0 : i64, scratch_operands = 1 : i64, tpu.core_type = #tpu.core_type<tc>, window_params = [{transform_indices = @transform_0, window_bounds = array<i64: 4, 512, 768>}, {pipeline_mode = #tpu.pipeline_mode<synchronous>, transform_indices = @transform_1, window_bounds = array<i64: 4, 768>}, {transform_indices = @transform_2, window_bounds = array<i64: 4, 512>}]} {
    %eq3A = arith.constant 0 : i32
    %eq3A_0 = arith.cmpi eq, %arg0, %eq3A : i32
    %convert_element_type3A = arith.extui %eq3A_0 : i1 to i32
    %cond3A = arith.constant 0 : i32
    %cond3A_1 = arith.cmpi ne, %convert_element_type3A, %cond3A : i32
    scf.if %cond3A_1 {
      %get3A = arith.constant 0 : index
      %get3A_7 = arith.constant 0 : index
      %get3A_8 = arith.constant 0 : index
      %get3A_9 = vector.load %arg2[%get3A, %get3A_7, %get3A_8] : memref<4x512x768xf32, #tpu.memory_space<vmem>>, vector<4x512x768xf32>
      %reduce_sum3A = arith.constant dense<0.000000e+00> : vector<4x768xf32>
      %reduce_sum3A_10 = vector.multi_reduction <add>, %get3A_9, %reduce_sum3A [1] : vector<4x512x768xf32> to vector<4x768xf32>
      %eq3A_11 = arith.constant 0 : i32
      %eq3A_12 = arith.cmpi eq, %arg1, %eq3A_11 : i32
      %convert_element_type3A_13 = arith.extui %eq3A_12 : i1 to i32
      %cond3A_14 = arith.constant 0 : i32
      %cond3A_15 = arith.cmpi ne, %convert_element_type3A_13, %cond3A_14 : i32
      scf.if %cond3A_15 {
        %broadcast_in_dim3A = arith.constant 0.000000e+00 : f32
        %broadcast_in_dim3A_30 = vector.broadcast %broadcast_in_dim3A : f32 to vector<4x768xf32>
        %swap3A_31 = arith.constant 0 : index
        %swap3A_32 = arith.constant 0 : index
        %swap3A_33 = vector.load %arg3[%swap3A_31, %swap3A_32] : memref<4x768xf32, #tpu.memory_space<vmem>>, vector<4x768xf32>
        tpu.vector_store %arg3[%swap3A_31, %swap3A_32], %broadcast_in_dim3A_30 {strides = array<i32>} : memref<4x768xf32, #tpu.memory_space<vmem>>, vector<4x768xf32>,
      } else {
      }
      %get3A_16 = arith.constant 0 : index
      %get3A_17 = arith.constant 0 : index
      %get3A_18 = vector.load %arg3[%get3A_16, %get3A_17] : memref<4x768xf32, #tpu.memory_space<vmem>>, vector<4x768xf32>
      %add3A = arith.addf %get3A_18, %reduce_sum3A_10 : vector<4x768xf32>
      %swap3A = arith.constant 0 : index
      %swap3A_19 = arith.constant 0 : index
      %swap3A_20 = vector.load %arg3[%swap3A, %swap3A_19] : memref<4x768xf32, #tpu.memory_space<vmem>>, vector<4x768xf32>
      tpu.vector_store %arg3[%swap3A, %swap3A_19], %add3A {strides = array<i32>} : memref<4x768xf32, #tpu.memory_space<vmem>>, vector<4x768xf32>,
      %lt3A = arith.constant 8 : i32
      %lt3A_21 = arith.cmpi slt, %arg1, %lt3A : i32
      %convert_element_type3A_22 = arith.extui %lt3A_21 : i1 to i32
      %cond3A_23 = arith.constant 0 : i32
      %cond3A_24 = arith.cmpi ne, %convert_element_type3A_22, %cond3A_23 : i32
      scf.if %cond3A_24 {
        %get3A_30 = arith.constant 0 : index
        %get3A_31 = arith.constant 0 : index
        %get3A_32 = arith.constant 0 : index
        %get3A_33 = vector.load %arg2[%get3A_30, %get3A_31, %get3A_32] : memref<4x512x768xf32, #tpu.memory_space<vmem>>, vector<4x512x768xf32>
        %mul3A = arith.constant 512 : i32
        %mul3A_34 = arith.muli %arg1, %mul3A : i32
        %swap3A_35 = arith.constant 0 : index
        %swap3A_36 = arith.index_cast %mul3A_34 : i32 to index
        %swap3A_37 = arith.constant 0 : index
        %swap3A_38 = vector.load %arg5[%swap3A_35, %swap3A_36, %swap3A_37] : memref<4x4096x768xf32, #tpu.memory_space<vmem>>, vector<4x512x768xf32>
        tpu.vector_store %arg5[%swap3A_35, %swap3A_36, %swap3A_37], %get3A_33 {strides = array<i32>} : memref<4x4096x768xf32, #tpu.memory_space<vmem>>, vector<4x512x768xf32>,
      } else {
      }
      %eq3A_25 = arith.constant 15 : i32
      %eq3A_26 = arith.cmpi eq, %arg1, %eq3A_25 : i32
      %convert_element_type3A_27 = arith.extui %eq3A_26 : i1 to i32
      %cond3A_28 = arith.constant 0 : i32
      %cond3A_29 = arith.cmpi ne, %convert_element_type3A_27, %cond3A_28 : i32
      scf.if %cond3A_29 {
        %get3A_30 = arith.constant 0 : index
        %get3A_31 = arith.constant 0 : index
        %get3A_32 = vector.load %arg3[%get3A_30, %get3A_31] : memref<4x768xf32, #tpu.memory_space<vmem>>, vector<4x768xf32>
        %mul3A = arith.constant 1.22070313E-4 : f32
        %mul3A_33 = vector.broadcast %mul3A : f32 to vector<4x768xf32>
        %mul3A_34 = arith.mulf %get3A_32, %mul3A_33 : vector<4x768xf32>
        %swap3A_35 = arith.constant 0 : index
        %swap3A_36 = arith.constant 0 : index
        %swap3A_37 = vector.load %arg3[%swap3A_35, %swap3A_36] : memref<4x768xf32, #tpu.memory_space<vmem>>, vector<4x768xf32>
        tpu.vector_store %arg3[%swap3A_35, %swap3A_36], %mul3A_34 {strides = array<i32>} : memref<4x768xf32, #tpu.memory_space<vmem>>, vector<4x768xf32>,
      } else {
      }
    } else {
    }
    %eq3A_2 = arith.constant 1 : i32
    %eq3A_3 = arith.cmpi eq, %arg0, %eq3A_2 : i32
    %convert_element_type3A_4 = arith.extui %eq3A_3 : i1 to i32
    %cond3A_5 = arith.constant 0 : i32
    %cond3A_6 = arith.cmpi ne, %convert_element_type3A_4, %cond3A_5 : i32
    scf.if %cond3A_6 {
      %get3A = arith.constant 0 : index
      %get3A_7 = arith.constant 0 : index
      %get3A_8 = vector.load %arg3[%get3A, %get3A_7] : memref<4x768xf32, #tpu.memory_space<vmem>>, vector<4x768xf32>
      %broadcast_in_dim3A = vector.shape_cast %get3A_8 : vector<4x768xf32> to vector<4x1x768xf32>
      %lt3A = arith.constant 8 : i32
      %lt3A_9 = arith.cmpi slt, %arg1, %lt3A : i32
      %convert_element_type3A_10 = arith.extui %lt3A_9 : i1 to i32
      %cond3A_11 = arith.constant 0 : i32
      %cond3A_12 = arith.cmpi ne, %convert_element_type3A_10, %cond3A_11 : i32
      scf.if %cond3A_12 {
        %get3A_17 = arith.constant 0 : index
        %get3A_18 = arith.constant 0 : index
        %get3A_19 = arith.constant 0 : index
        %get3A_20 = vector.load %arg2[%get3A_17, %get3A_18, %get3A_19] : memref<4x512x768xf32, #tpu.memory_space<vmem>>, vector<4x512x768xf32>
        %sub3A = vector.broadcast %broadcast_in_dim3A : vector<4x1x768xf32> to vector<4x512x768xf32>
        %sub3A_21 = arith.subf %get3A_20, %sub3A : vector<4x512x768xf32>
        %mul3A = arith.mulf %sub3A_21, %sub3A_21 : vector<4x512x768xf32>
        %reduce_sum3A = arith.constant dense<0.000000e+00> : vector<4x512xf32>
        %reduce_sum3A_22 = vector.multi_reduction <add>, %mul3A, %reduce_sum3A [2] : vector<4x512x768xf32> to vector<4x512xf32>
        %swap3A = arith.constant 0 : index
        %swap3A_23 = arith.constant 0 : index
        %swap3A_24 = vector.load %arg4[%swap3A, %swap3A_23] : memref<4x512xf32, #tpu.memory_space<vmem>>, vector<4x512xf32>
        tpu.vector_store %arg4[%swap3A, %swap3A_23], %reduce_sum3A_22 {strides = array<i32>} : memref<4x512xf32, #tpu.memory_space<vmem>>, vector<4x512xf32>,
      } else {
      }
      %ge3A = arith.constant 8 : i32
      %ge3A_13 = arith.cmpi sge, %arg1, %ge3A : i32
      %convert_element_type3A_14 = arith.extui %ge3A_13 : i1 to i32
      %cond3A_15 = arith.constant 0 : i32
      %cond3A_16 = arith.cmpi ne, %convert_element_type3A_14, %cond3A_15 : i32
      scf.if %cond3A_16 {
        %sub3A = arith.constant 8 : i32
        %sub3A_17 = arith.subi %arg1, %sub3A : i32
        %mul3A = arith.constant 512 : i32
        %mul3A_18 = arith.muli %sub3A_17, %mul3A : i32
        %get3A_19 = arith.constant 0 : index
        %get3A_20 = arith.index_cast %mul3A_18 : i32 to index
        %get3A_21 = arith.constant 0 : index
        %get3A_22 = vector.load %arg5[%get3A_19, %get3A_20, %get3A_21] : memref<4x4096x768xf32, #tpu.memory_space<vmem>>, vector<4x512x768xf32>
        %sub3A_23 = vector.broadcast %broadcast_in_dim3A : vector<4x1x768xf32> to vector<4x512x768xf32>
        %sub3A_24 = arith.subf %get3A_22, %sub3A_23 : vector<4x512x768xf32>
        %mul3A_25 = arith.mulf %sub3A_24, %sub3A_24 : vector<4x512x768xf32>
        %reduce_sum3A = arith.constant dense<0.000000e+00> : vector<4x512xf32>
        %reduce_sum3A_26 = vector.multi_reduction <add>, %mul3A_25, %reduce_sum3A [2] : vector<4x512x768xf32> to vector<4x512xf32>
        %swap3A = arith.constant 0 : index
        %swap3A_27 = arith.constant 0 : index
        %swap3A_28 = vector.load %arg4[%swap3A, %swap3A_27] : memref<4x512xf32, #tpu.memory_space<vmem>>, vector<4x512xf32>
        tpu.vector_store %arg4[%swap3A, %swap3A_27], %reduce_sum3A_26 {strides = array<i32>} : memref<4x512xf32, #tpu.memory_space<vmem>>, vector<4x512xf32>,
      } else {
      }
    } else {
    }
    return
  }
  func.func @transform_0(%arg0: i32, %arg1: i32) -> (i32, i32, i32) {
    %lt3A = arith.constant 8 : i32
    %lt3A_0 = arith.cmpi slt, %arg1, %lt3A : i32
    %add3A = arith.constant 8 : i32
    %add3A_1 = arith.addi %arg1, %add3A : i32
    %jit3A = arith.constant 15 : i32
    %select_n3A = arith.select %lt3A_0, %add3A_1, %jit3A : i32
    %eq3A = arith.constant 0 : i32
    %eq3A_2 = arith.cmpi eq, %arg0, %eq3A : i32
    %select_n3A_3 = arith.select %eq3A_2, %arg1, %select_n3A : i32
    %c0_i32 = arith.constant 0 : i32
    %c0_i32_4 = arith.constant 0 : i32
    %c0_i32_5 = arith.constant 0 : i32
    return %c0_i32, %select_n3A_3, %c0_i32_4 : i32, i32, i32
  }
  func.func @transform_1(%arg0: i32, %arg1: i32) -> (i32, i32) {
    %c0_i32 = arith.constant 0 : i32
    %c0_i32_0 = arith.constant 0 : i32
    %c0_i32_1 = arith.constant 0 : i32
    return %c0_i32, %c0_i32_0 : i32, i32
  }
  func.func @transform_2(%arg0: i32, %arg1: i32) -> (i32, i32) {
    %lt3A = arith.constant 8 : i32
    %lt3A_0 = arith.cmpi slt, %arg1, %lt3A : i32
    %add3A = arith.constant 8 : i32
    %add3A_1 = arith.addi %arg1, %add3A : i32
    %sub3A = arith.constant 8 : i32
    %sub3A_2 = arith.subi %arg1, %sub3A : i32
    %select_n3A = arith.select %lt3A_0, %add3A_1, %sub3A_2 : i32
    %eq3A = arith.constant 0 : i32
    %eq3A_3 = arith.cmpi eq, %arg0, %eq3A : i32
    %jit3A = arith.constant 0 : i32
    %select_n3A_4 = arith.select %eq3A_3, %jit3A, %select_n3A : i32
    %c0_i32 = arith.constant 0 : i32
    %c0_i32_5 = arith.constant 0 : i32
    return %c0_i32, %select_n3A_4 : i32, i32
  }
}

</mosaic_0001>

<sc_bundles>
// kernel: kernel.5.cloned.1.call-start
scs
__scs_entry_jumppad:
0x0: {  	(pc) =	sbr.rel $0x88, $3  }
0x1: {  	(tag) =	ssettag $0x0;
	lr =	simm.s32 $0x1  }
0x2: {  	[smem:$0x3F9C] =	sst lr;
	_ =	strace $0xD0000000  }
0x3: {  	_ = 	snop  }
0x4: {  	_ = 	snop  }
0x5: {  	_ = 	snop  }
0x6: {  	_ = 	snop  }
0x7: {  	_ = 	snop  }
__scs_overlays_trampoline_lowered:
0x8: {  	[smem:$0x3FAB] =	sst s0  }
0x9: {  	[smem:$0x3FAC] =	sst s1  }
0xa: {  	[smem:$0x3FAD] =	sst s2  }
0xb: {  	[smem:$0x3FAE] =	sst s3  }
0xc: {  	[smem:$0x3FAF] =	sst s4  }
0xd: {  	[smem:$0x3FB0] =	sst s5  }
0xe: {  	[smem:$0x3FB1] =	sst s6  }
0xf: {  	[smem:$0x3FB2] =	sst s7  }
0x10: {  	[smem:$0x3FB3] =	sst s8  }
0x11: {  	[smem:$0x3FB4] =	sst s9;
	s0 =	simm.s32 @!p0 $0x0  }
0x12: {  	s1 =	sld [smem:$0x3F9A];
	s0 =	simm.s32 @p0 $0x1  }
0x13: {  	[smem:$0x3FB5] =	sst s0;
	s0 =	simm.s32 @!p1 $0x0  }
0x14: {  	s2 =	sld [smem:$0x3F99];
	s0 =	simm.s32 @p1 $0x1  }
0x15: {  	[smem:$0x3FB6] =	sst s0;
	s0 =	simm.s32 @!p2 $0x0  }
0x16: {  	s3 =	sld [smem:$0x3FDB];
	s0 =	simm.s32 @p2 $0x1  }
0x17: {  	s4 =	simm.s32 $0x1BF5;
	[smem:$0x3FB8] =	sst s0  }
0x18: {  	s0 =	sld [smem:$0x3F9B];
	_ =	swait.ge [sflag:s4], $0x0  }
0x19: {  	s7 =	sld [smem:$0x3F9C]  }
0x1a: {  	s8 =	sadd.s32 $0xFFFFE003, lr  }
0x1b: {  	s9 =	sadd.s32 $0xFFFFFEF7, lr;
	s5 =	simm.s32 $0xFFFFFFFF;
	p2 =	slt.u32 s8, $0xFFFFF086  }
0x1c: {  	p1 =	slt.u32 s9, $0xF7A;
	s5 =	simm.s32 @!p2 $0x0  }
0x1d: {  	s5 =	simm.s32 @p1 $0x1;
	p0 =	seq.s32 s7, s2  }
0x1e: {  	s7 =	smul.u32 @!p0 $0xF7A, s2;
	p2 =	seq.s32 @!p0 s5, $0x0  }
0x1f: {  	s9 =	smul.u32 $0xF7A, s1;
	s8 =	simm.s32 @!p0 $0x1BF5;
	p2 =	por !p2, p0  }
0x20: {  	[sflag:s8] =	ssyncset.s32 @!p0 $0xFFFFF086;
	s6 =	sadd.s32 @!p0 s3, s7;
	s7 =	simm.s32 @!p0 $0x108  }
0x21: {  	s3 =	sadd.s32 s3, s9;
	s6 =	sadd.s32 @!p0 $0x88, s6;
	s7 =	simm.s32 @p2 $0x1082  }
0x22: {  	[simem:s7], [sflag:s8] =	dma.local @!p0 [hbm:s6], $0xF7A  }
0x23: {  	s9 =	sor.u32 $0xD0000000, s2;
	s6 =	simm.s32 $0x108;
	_ =	swait.ge @!p0 [sflag:s8], $0x0  }
0x24: {  	s3 =	sadd.s32 $0x88, s3;
	s6 =	simm.s32 @!p1 $0x1082;
	[sflag:s4] =	ssyncset.s32 $0xFFFFF086  }
0x25: {  	[simem:s6], [sflag:s4] =	dma.local [hbm:s3], $0xF7A  }
0x26: {  	[smem:$0x3F9C] =	sst s1;
	(tag) =	ssettag s2;
	_ =	strace s9  }
0x27: {  	s1 =	sld [smem:$0x3FAC]  }
0x28: {  	s2 =	sld [smem:$0x3FAD]  }
0x29: {  	s4 =	sld [smem:$0x3FAF]  }
0x2a: {  	p0 =	seq.s32 s5, $0x0;
	s5 =	sld [smem:$0x3FB0]  }
0x2b: {  	s6 =	sld [smem:$0x3FB1]  }
0x2c: {  	s7 =	sld [smem:$0x3FB2]  }
0x2d: {  	s3 =	simm.s32 $0x108;
	s8 =	sld [smem:$0x3FB3]  }
0x2e: {  	s3 =	simm.s32 @!p0 $0x1082;
	s9 =	sld [smem:$0x3FB4]  }
0x2f: {  	lr =	sadd.s32 s0, s3;
	s0 =	sld [smem:$0x3FAB]  }
0x30: {  	s3 =	sld [smem:$0x3FAE]  }
0x31: {  	[smem:$0x3FB7] =	sst s10  }
0x32: {  	s10 =	sld [smem:$0x3FB5];
	_ =	sdelay $0x3  }
0x33: {  	p0 =	seq.s32 s10, $0x1;
	s10 =	sld [smem:$0x3FB7];
	_ =	sdelay $0x3  }
0x34: {  	[smem:$0x3FB7] =	sst s10  }
0x35: {  	s10 =	sld [smem:$0x3FB6];
	_ =	sdelay $0x3  }
0x36: {  	p1 =	seq.s32 s10, $0x1;
	s10 =	sld [smem:$0x3FB7];
	_ =	sdelay $0x3  }
0x37: {  	[smem:$0x3FB7] =	sst s10  }
0x38: {  	s10 =	sld [smem:$0x3FB8]  }
0x39: {  	_ = 	snop;
	(pc) =	sbr.ind lr, $3  }
0x3a: {  	_ = 	snop  }
0x3b: {  	_ = 	snop  }
0x3c: {  	p2 =	seq.s32 s10, $0x1;
	s10 =	sld [smem:$0x3FB7]  }
0x3d: {  	_ =	shalt  }
0x3e: {  	_ =	shalt  }
0x3f: {  	_ =	shalt  }
0x40: {  	_ =	shalt  }
0x41: {  	_ =	shalt  }
0x42: {  	_ =	shalt  }
0x43: {  	_ =	shalt  }
0x44: {  	_ =	shalt  }
0x45: {  	_ =	shalt  }
0x46: {  	_ =	shalt  }
0x47: {  	_ =	shalt  }
0x48: {  	_ =	shalt  }
0x49: {  	_ =	shalt  }
0x4a: {  	_ =	shalt  }
0x4b: {  	_ =	shalt  }
0x4c: {  	_ =	shalt  }
0x4d: {  	_ =	shalt  }
0x4e: {  	_ =	shalt  }
0x4f: {  	_ =	shalt  }
0x50: {  	_ =	shalt  }
0x51: {  	_ =	shalt  }
0x52: {  	_ =	shalt  }
0x53: {  	_ =	shalt  }
0x54: {  	_ =	shalt  }
0x55: {  	_ =	shalt  }
0x56: {  	_ =	shalt  }
0x57: {  	_ =	shalt  }
0x58: {  	_ =	shalt  }
0x59: {  	_ =	shalt  }
0x5a: {  	_ =	shalt  }
0x5b: {  	_ =	shalt  }
0x5c: {  	_ =	shalt  }
0x5d: {  	_ =	shalt  }
0x5e: {  	_ =	shalt  }
0x5f: {  	_ =	shalt  }
0x60: {  	_ =	shalt  }
0x61: {  	_ =	shalt  }
0x62: {  	_ =	shalt  }
0x63: {  	_ =	shalt  }
0x64: {  	_ =	shalt  }
0x65: {  	_ =	shalt  }
0x66: {  	_ =	shalt  }
0x67: {  	_ =	shalt  }
0x68: {  	_ =	shalt  }
0x69: {  	_ =	shalt  }
0x6a: {  	_ =	shalt  }
0x6b: {  	_ =	shalt  }
0x6c: {  	_ =	shalt  }
0x6d: {  	_ =	shalt  }
0x6e: {  	_ =	shalt  }
0x6f: {  	_ =	shalt  }
0x70: {  	_ =	shalt  }
0x71: {  	_ =	shalt  }
0x72: {  	_ =	shalt  }
0x73: {  	_ =	shalt  }
0x74: {  	_ =	shalt  }
0x75: {  	_ =	shalt  }
0x76: {  	_ =	shalt  }
0x77: {  	_ =	shalt  }
0x78: {  	_ =	shalt  }
0x79: {  	_ =	shalt  }
0x7a: {  	_ =	shalt  }
0x7b: {  	_ =	shalt  }
0x7c: {  	_ =	shalt  }
0x7d: {  	_ =	shalt  }
0x7e: {  	_ =	shalt  }
0x7f: {  	_ =	shalt  }
0x80: {  	_ =	shalt  }
0x81: {  	_ =	shalt  }
0x82: {  	_ =	shalt  }
0x83: {  	_ =	shalt  }
0x84: {  	_ =	shalt  }
0x85: {  	_ =	shalt  }
0x86: {  	_ =	shalt  }
0x87: {  	_ =	shalt  }
.Lfunc_end0:
.L_simem_size_0:
called_computation_lowered:
.L_overlay_start_0:
0x88: {  	s2 =	sld [smem:$0x3FD9]  }
0x89: {  	s3 =	sld [smem:$0x3FFE];
	_ =	sdelay $0x1  }
0x8a: {  	s1 =	srdreg.scid  }
0x8b: {  	s0 =	sand.u32 $0x1, s1  }
0x8c: {  	s17 =	sshll.u32 s0, $0xA;
	s2 =	sadd.s32 s3, s2  }
0x8d: {  	s2 =	sadd.s32 s2, s17  }
0x8e: {  	[smem:$0x3FC3] =	sst s2  }
0x8f: {  	_ = 	snop  }
0x90: {  	s2 =	sld [smem:$0x3FC9];
	(tm) =	ssettm $0x1  }
0x91: {  	s18 =	sld [smem:$0x3FFB];
	_ =	sdelay $0x3  }
0x92: {  	_ =	strace s18  }
0x93: {  	s3 =	sld [smem:$0x3FFC];
	_ =	sdelay $0x3  }
0x94: {  	_ =	strace s3  }
0x95: {  	s3 =	sld [smem:$0x3FFD];
	_ =	sdelay $0x3  }
0x96: {  	_ =	strace s3  }
0x97: {  	_ =	strace $0x8FFFFFFF  }
0x98: {  	s19 =	sld [smem:$0x3FDB];
	_ =	sdelay $0x1  }
0x99: {  	s4 =	simm.s32 $_scs_section_size  }
0x9a: {  	s5 =	simm.s32 $_size__tile_overlayer_lowered;
	s6 =	simm.s32 $_tile_overlayer_lowered  }
0x9b: {  	s22 =	simm.s32 $0x1BFF;
	s21 =	sshll.u32 s6, $0x1;
	s3 =	sadd.s32 s4, s19  }
0x9c: {  	s7 =	simm.s32 $0x0;
	s20 =	sshll.u32 s5, $0x1;
	s5 =	sadd.s32 s21, s3  }
0x9d: {  	[timem:s7], [sflag:s22] =	dma.local [hbm:s5], s20  }
0x9e: {  	_ =	swait.ge [sflag:s22], s20  }
0x9f: {  	s4 =	ssub.s32 $0x0, s20;
	[sflag:s22] =	ssyncset.done $0x0  }
0xa0: {  	[sflag:s22] =	ssyncadd.s32 s4;
	_ =	sdelay $0x1  }
0xa1: {  	s23 =	simm.s32 $0x1B8B  }
0xa2: {  	_ =	swait.ge [sflag:s23], $0x1  }
0xa3: {  	[sflag:s23] =	ssyncset.done $0x0  }
0xa4: {  	s25 =	simm.s32 $0x1B8E;
	s24 =	sld [smem:$0x3FFE];
	[sflag:s23] =	ssyncadd.s32 $0xFFFFFFFF  }
0xa5: {  	s26 =	simm.s32 $execute0_lowered;
	[smem:$0x3FD2] =	sst s25  }
0xa6: {  	s5 =	sshll.u32 s26, $0x1;
	_ =	strace $0x80000046;
	[dreg:$0x1] =	wrdreg $0xFFFFFFFF  }
0xa7: {  	s28 =	simm.s32 $_size_execute0_lowered;
	s3 =	sadd.s32 s3, s5;
	[dreg:$0x0] =	wrdreg $0x0  }
0xa8: {  	s5 =	sshll.u32 s28, $0x1;
	[dreg:$0x2] =	wrdreg s3  }
0xa9: {  	[dreg:$0x3] =	wrdreg s5  }
0xaa: {  	[dreg:$0x4] =	wrdreg $0xC0  }
0xab: {  	_ =	task [dreg:s7], $0x5FFFF  }
0xac: {  	[dreg:$0x1] =	wrdreg $0xFFFFFFFF  }
0xad: {  	[dreg:$0x0] =	wrdreg $0x60  }
0xae: {  	[dreg:$0x2] =	wrdreg s24  }
0xaf: {  	[dreg:$0x3] =	wrdreg s2  }
0xb0: {  	[dreg:$0x4] =	wrdreg $0x9  }
0xb1: {  	_ =	task.clear_ibuf [dreg:s7], $0x5FFFF;
	_ =	strace $0x90000046  }
0xb2: {  	s29 =	simm.s32 $0x9;
	_ =	strace $0x80000048  }
0xb3: {  	_ =	swait.ge [sflag:s29], $0x1  }
0xb4: {  	[sflag:s29] =	ssyncadd.s32 $0xFFFFFFFF  }
0xb5: {  	_ =	strace $0x90000048  }
0xb6: {  	_ =	sfence  }
0xb7: {  	s30 =	sld [smem:$0x0];
	_ =	sdelay $0x2  }
0xb8: {  	s31 =	sshll.u32 s1, $0xD;
	s1 =	sshrl.u32 s1, $0x2  }
0xb9: {  	s3 =	sand.u32 $0x4000, s31;
	s1 =	sadd.s32 s1, s30  }
0xba: {  	s0 =	sor.u32 s3, s0;
	s1 =	sshll.u32 s1, $0x11  }
0xbb: {  	s0 =	sor.u32 s1, s0  }
0xbc: {  	s0 =	sadd.s32 $0x8F2B, s0  }
0xbd: {  	[sflag:s0] =	ssyncadd.remote.s32 $0x1  }
0xbe: {  	_ =	sfence.sel $0xFFFF  }
0xbf: {  	[dreg:$0x0] =	wrdreg $0xFFFFFFFF;
	(pc) =	sbr.abs _section_cstart, $3  }
0xc0: {  	[dreg:$0x1] =	wrdreg $0xFFFFFFFF  }
0xc1: {  	_ =	task.clear_ibuf [dreg:s7], $0x2FFFF;
	_ =	strace $0x9FFFFFFF  }
0xc2: {  	(tm) =	ssettm $0x7FFFFFFF  }
0xc3: {  	_ =	shalt  }
tec
execute0_lowered:
.L_overlay_start_1:
0x0: {  	(tag) =	ssettag $0x1  }
0x1: {  	s4 =	rddreg [dreg:$0x0]  }
0x2: {  	s2 =	rddreg [dreg:$0x1];
	s3 =	srdreg.scid  }
0x3: {  	s0 =	rddreg [dreg:$0x2];
	s1 =	stileid.u32;
	s10 =	simm.s32 $0x2000  }
0x4: {  	s11 =	simm.s32 $0x2800;
	s12 =	simm.s32 $0x3000;
	s13 =	simm.s32 $0x3800  }
0x5: {  	s15 =	simm.s32 $0x4800;
	s16 =	simm.s32 $0x80;
	s17 =	simm.s32 $0x200  }
0x6: {  	s18 =	simm.s32 $0x5000;
	s19 =	simm.s32 $0x0;
	s5 =	sand.u32 $0x1, s3  }
0x7: {  	s3 =	simm.s32 $0x0;
	s7 =	sshrl.u32 s1, $0x3;
	s31 =	sor.u32 $0x8, s1  }
0x8: {  	s6 =	sshll.u32 s5, $0x1;
	[smem:$0x7FF] =	sst s3;
	s5 =	ssub.s32 $0x2, s5  }
0x9: {  	p0 =	seq.s32 s31, $0x8;
	s6 =	sor.u32 s7, s6;
	_ =	strace $0x80000047  }
.Ltmp0:
0xa: {  	s9 =	sshrl.u32 s5, $0x1;
	s7 =	sshll.u32 s6, $0xA;
	(pc) =	sbr.rel .LBB2_1-.Ltmp0, $4  }
0xb: {  	s8 =	sshll.u32 s6, $0x4;
	s9 =	ssub.s32 s5, s9;
	s14 =	sshll.u32 s6, $0xD  }
0xc: {  	v0 =	vlaneseq.u32;
	s5 =	sadd.s32 $0x100, s2;
	s6 =	sadd.s32 $0x200, s2;
	s7 =	sadd.s32 s7, s4  }
0xd: {  	vm0 =	vmmov $0xffff;
	v3 =	vshrl.u32 v0, $0x3;
	s8 =	sadd.s32 s8, s4;
	v1 =	vmov s14;
	s14 =	simm.s32 $0x4000;
	s4 =	sadd.s32 $0x2200, s7  }
0xe: {  	v2 =	vand.u32 $0x7, v0;
	v4 =	vor.u32 $0x8, v0;
	v3 =	vmul.u32 $0x8, v3;
	s7 =	sadd.s32 $0x1200, s8;
	s8 =	smax.u32 s9, $0x1;
	s9 =	simm.s32 $0x1  }
.LBB2_7:
0xf: {  	s19 =	sadd.s32 $0x1, s19  }
0x10: {  	p1 =	sne.s32 s19, s8  }
.Ltmp1:
0x11: {  	_ = 	snop;
	(pc) =	sbr.rel @!p1 .LBB2_8-.Ltmp1, $1  }
0x12: {  	_ =	sdelay $0x3  }
.LBB2_1:
.Ltmp2:
0x13: {  	(pc) =	sbr.rel @!p0 .LBB2_7-.Ltmp2, $1  }
0x14: {  	_ =	sdelay $0x3  }
0x15: {  	[tilespmem:s3], [sflag:$0x1] =	stream.linear.gather [hbm4b:s4+s3], $0x2000, $0x38;
	[tilespmem:$0x5300] =	vst v63  }
0x16: {  	_ =	swait.ge [sflag:s9], $0x2000  }
0x17: {  	[sflag:s9] =	ssyncset.done $0x0  }
0x18: {  	s20 =	simm.s32 $0x40;
	[sflag:s9] =	ssyncadd.s32 $0xFFFFE000  }
0x19: {  	v5 =	vld [tilespmem:s20+$0x30]  }
0x1a: {  	v6 =	vld [tilespmem:s20+$0x10]  }
0x1b: {  	v7 =	vld [tilespmem:s20+$0x0]  }
0x1c: {  	s21 =	simm.s32 $0x70;
	v8 =	vld [tilespmem:s20+$0x20]  }
0x1d: {  	s23 =	simm.s32 $0x50;
	v9 =	vor.u32 s21, v0  }
0x1e: {  	s22 =	simm.s32 $0x40;
	(xrf1) =	vsort.dscd.msk.f32 $0xffff, v5, v9;
	v5 =	vor.u32 s23, v0  }
0x1f: {  	s24 =	simm.s32 $0x60;
	v9 =	vor.u32 s22, v0;
	(xrf1) =	vsort.dscd.msk.f32 $0xffff, v6, v5  }
0x20: {  	v5 =	vor.u32 s24, v0;
	(xrf1) =	vsort.dscd.msk.f32 $0xffff, v7, v9  }
0x21: {  	(xrf1) =	vsort.dscd.msk.f32 $0xffff, v8, v5;
	_ =	sdelay $0x1  }
0x22: {  	v5 =	vld [tilespmem:s20+$0xFFFFFFC0]  }
0x23: {  	v6 =	vld [tilespmem:s20+$0xFFFFFFF0];
	_ =	sdelay $0x1  }
0x24: {  	s25 =	simm.s32 $0x0  }
0x25: {  	s26 =	simm.s32 $0x30;
	v7 =	vld [tilespmem:s20+$0xFFFFFFE0];
	v8 =	vor.u32 s25, v0  }
0x26: {  	s28 =	simm.s32 $0xC0;
	s29 =	simm.s32 $0x20;
	v10 =	vor.u32 s26, v0;
	v9 =	vld [tilespmem:s20+$0xFFFFFFD0];
	(xrf1) =	vsort.dscd.msk.f32 $0xffff, v5, v8  }
0x27: {  	s30 =	simm.s32 $0x10;
	v5 =	vld [tilespmem:s28+$0x30];
	(xrf1) =	vsort.dscd.msk.f32 $0xffff, v6, v10;
	v6 =	vor.u32 s29, v0  }
0x28: {  	s31 =	simm.s32 $0xF0;
	v11 =	vor.u32 s30, v0  }
0x29: {  	v15 =	vor.u32 s31, v0;
	v8 =	vld [tilespmem:s28+$0x10]  }
0x2a: {  	v12 =	vld [tilespmem:s28+$0x0];
	v10 =	vimm.f32 $-3.000000010e+38;
	(xrf1) =	vsort.dscd.msk.f32 $0xffff, v7, v6;
	v6, v7, _ =	vpop (xrf1)  }
0x2b: {  	v13 =	vimm.s32 $0x0;
	(xrf1) =	vsort.dscd.msk.f32 $0xffff, v9, v11;
	v9 =	vld [tilespmem:s28+$0x20];
	vm1 =	vge.f32 v10, v6;
	v11, v14, _ =	vpop (xrf1)  }
0x2c: {  	s22 =	simm.s32 $0xD0;
	v6 =	vsel vm1, v10, v6;
	v7 =	vsel vm1, v13, v7;
	v16, v17, _ =	vpop (xrf1);
	(xrf1) =	vsort.dscd.msk.f32 $0xffff, v5, v15  }
0x2d: {  	s23 =	simm.s32 $0xC0;
	v18 =	vor.u32 s22, v0;
	v5, v15, _ =	vpop (xrf1);
	(xrf1) =	vsort.ascd.msk.f32 $0xffff, v6, v7  }
0x2e: {  	s24 =	simm.s32 $0xE0;
	vm2 =	vge.f32 v10, v11;
	v6 =	vor.u32 s23, v0;
	(xrf1) =	vsort.dscd.msk.f32 $0xffff, v8, v18;
	vm1 =	vge.f32 v10, v5  }
0x2f: {  	v7 =	vor.u32 s24, v0;
	vm3 =	vge.f32 v10, v16;
	v8 =	vld [tilespmem:s28+$0xFFFFFFC0];
	(xrf1) =	vsort.dscd.msk.f32 $0xffff, v12, v6;
	v6 =	vsel vm1, v13, v15  }
0x30: {  	v12 =	vld [tilespmem:s28+$0xFFFFFFF0];
	v5 =	vsel vm1, v10, v5;
	(xrf1) =	vsort.dscd.msk.f32 $0xffff, v9, v7;
	v7 =	vsel vm2, v10, v11  }
0x31: {  	s25 =	simm.s32 $0x80;
	v9 =	vsel vm2, v13, v14;
	v11 =	vsel vm3, v13, v17;
	(xrf1) =	vsort.ascd.msk.f32 $0xffff, v5, v6  }
0x32: {  	v5 =	vld [tilespmem:s28+$0xFFFFFFE0];
	v6 =	vsel vm3, v10, v16;
	(xrf1) =	vsort.ascd.msk.f32 $0xffff, v7, v9;
	v9 =	vor.u32 s25, v0  }
0x33: {  	s26 =	simm.s32 $0xB0;
	v7 =	vld [tilespmem:s28+$0xFFFFFFD0];
	(xrf1) =	vsort.ascd.msk.f32 $0xffff, v6, v11  }
0x34: {  	v14 =	vor.u32 s26, v0;
	s28 =	simm.s32 $0xA0;
	(xrf1) =	vsort.dscd.msk.f32 $0xffff, v8, v9  }
0x35: {  	s29 =	simm.s32 $0x90;
	v6, v11, _ =	vpop (xrf1);
	(xrf1) =	vsort.dscd.msk.f32 $0xffff, v12, v14;
	v12 =	vor.u32 s28, v0  }
0x36: {  	v14 =	vor.u32 s29, v0;
	v8, v9, _ =	vpop (xrf1)  }
0x37: {  	vm2 =	vge.f32 v10, v6;
	(xrf1) =	vsort.dscd.msk.f32 $0xffff, v5, v12;
	vm1 =	vge.f32 v10, v8  }
0x38: {  	(xrf1) =	vsort.dscd.msk.f32 $0xffff, v7, v14;
	v5 =	vsel vm1, v13, v9;
	v7 =	vsel vm1, v10, v8  }
0x39: {  	v9, v12, _ =	vpop (xrf1);
	(xrf1) =	vsort.ascd.msk.f32 $0xffff, v7, v5;
	v7 =	vsel vm2, v13, v11  }
0x3a: {  	s20 =	simm.s32 $0x140;
	v6 =	vsel vm2, v10, v6;
	v8, v14, _ =	vpop (xrf1);
	vm2 =	vge.f32 v10, v9  }
0x3b: {  	v5 =	vld [tilespmem:s20+$0x30];
	vm1 =	vge.f32 v10, v8;
	v15, v16, _ =	vpop (xrf1);
	v9 =	vsel vm2, v10, v9;
	v11 =	vsel vm2, v13, v12  }
0x3c: {  	(xrf1) =	vsort.ascd.msk.f32 $0xffff, v6, v7;
	v7, v12, _ =	vpop (xrf1);
	v8 =	vsel vm1, v10, v8;
	v10 =	vsel vm1, v13, v14  }
0x3d: {  	s21 =	simm.s32 $0x170;
	v6 =	vld [tilespmem:s20+$0x10];
	(xrf1) =	vsort.ascd.msk.f32 $0xffff, v9, v11;
	vm1 =	vge.f32 v7, v15  }
0x3e: {  	v9 =	vld [tilespmem:s20+$0x0];
	(xrf1) =	vsort.ascd.msk.f32 $0xffff, v8, v10;
	v8 =	vor.u32 s21, v0;
	v7 =	vsel vm1, v7, v15  }
0x3f: {  	v13 =	vld [tilespmem:s20+$0x20];
	v14, v18, _ =	vpop (xrf1);
	v12 =	vsel vm1, v12, v16  }
0x40: {  	s30 =	simm.s32 $0x150;
	(xrf1) =	vsort.dscd.msk.f32 $0xffff, v5, v8;
	v11, v10, _ =	vpop (xrf1)  }
0x41: {  	s23 =	simm.s32 $0x140;
	v16 =	vor.u32 s30, v0;
	(xrf1) =	vsort.ascd.msk.f32 $0xffff, v7, v12;
	v8, v15, _ =	vpop (xrf1)  }
0x42: {  	s31 =	simm.s32 $0x160;
	v17 =	vor.u32 s23, v0;
	(xrf1) =	vsort.dscd.msk.f32 $0xffff, v6, v16;
	v12, v7, _ =	vpop (xrf1)  }
0x43: {  	v21 =	vor.u32 s31, v0;
	v5 =	vld [tilespmem:s20+$0xFFFFFFF0];
	(xrf1) =	vsort.dscd.msk.f32 $0xffff, v9, v17;
	vm2 =	vge.f32 v12, v8;
	v19, v20, _ =	vpop (xrf1)  }
0x44: {  	v6 =	vld [tilespmem:s20+$0xFFFFFFE0];
	(xrf1) =	vsort.dscd.msk.f32 $0xffff, v13, v21;
	v22 =	vsel vm2, v7, v15;
	v16, v15, _ =	vpop (xrf1)  }
0x45: {  	v13 =	vld [tilespmem:s20+$0xFFFFFFC0];
	vm3 =	vge.f32 v19, v14;
	v63 =	vsel vm2, v12, v8;
	vm1 =	vge.f32 v16, v11;
	v9, v8, _ =	vpop (xrf1)  }
0x46: {  	s22 =	simm.s32 $0x1F0;
	v7 =	vld [tilespmem:s20+$0xFFFFFFD0];
	v17 =	vsel vm3, v19, v14;
	v18 =	vsel vm3, v20, v18;
	(xrf1) =	vsort.ascd.msk.f32 $0xffff, v63, v22;
	v12, v14, _ =	vpop (xrf1)  }
.LBB2_3:
0x47: {  	p1 =	sne.s32 s22, $0x1FF0;
	v11 =	vsel vm1, v16, v11  }
0x48: {  	s23 =	sadd.s32 $0xFFFFFF90, s21;
	v10 =	vsel vm1, v15, v10;
	v15, v16, _ =	vpop (xrf1);
	(xrf1) =	vsort.ascd.msk.f32 $0xffff, v17, v18;
	s24 =	smov.u32 s22;
	s22 =	sadd.s32 $0x80, s22  }
0x49: {  	v17 =	vor.u32 s23, v0;
	s23 =	sadd.s32 $0xFFFFFFC0, s21;
	v18, v19, _ =	vpop (xrf1);
	(xrf1) =	vsort.ascd.msk.f32 $0xffff, v11, v10  }
0x4a: {  	s25 =	sadd.s32 $0xFFFFFFB0, s21;
	v20 =	vor.u32 s23, v0;
	(xrf1) =	vsort.dscd.msk.f32 $0xffff, v13, v17;
	v11, v13, _ =	vpop (xrf1)  }
0x4b: {  	s23 =	sadd.s32 $0xFFFFFFA0, s21;
	v17 =	vor.u32 s25, v0;
	s21 =	smov.u32 s24;
	(xrf1) =	vsort.dscd.msk.f32 $0xffff, v5, v20;
	vm1 =	vge.f32 v11, v12  }
0x4c: {  	v20 =	vor.u32 s23, v0;
	(xrf1) =	vsort.dscd.msk.f32 $0xffff, v6, v17;
	v14 =	vsel vm1, v13, v14;
	v10, v13, _ =	vpop (xrf1)  }
0x4d: {  	v12 =	vsel vm1, v11, v12;
	(xrf1) =	vsort.dscd.msk.f32 $0xffff, v7, v20;
	vm2 =	vge.f32 v10, v9;
	v7, v11, _ =	vpop (xrf1)  }
0x4e: {  	s20 =	sadd.s32 $0x80, s20;
	v17 =	vsel vm2, v10, v9;
	(xrf1) =	vsort.ascd.msk.f32 $0xffff, v12, v14;
	v5, v6, _ =	vpop (xrf1)  }
0x4f: {  	v8 =	vsel vm2, v13, v8;
	vm2 =	vge.f32 v7, v15;
	v12 =	vld [tilespmem:s20+$0x30];
	vm1 =	vge.f32 v5, v18  }
0x50: {  	v15 =	vsel vm2, v7, v15;
	v11 =	vsel vm2, v11, v16;
	v14 =	vld [tilespmem:s20+$0x20];
	v10, v13, _ =	vpop (xrf1);
	(xrf1) =	vsort.ascd.msk.f32 $0xffff, v17, v8  }
0x51: {  	v5 =	vsel vm1, v5, v18;
	v6 =	vsel vm1, v6, v19;
	v8 =	vld [tilespmem:s20+$0x10];
	(xrf1) =	vsort.ascd.msk.f32 $0xffff, v15, v11;
	v7, v9, _ =	vpop (xrf1)  }
0x52: {  	v15 =	vld [tilespmem:s20+$0x0];
	vm1 =	vge.f32 v7, v10;
	v17, v18, _ =	vpop (xrf1);
	(xrf1) =	vsort.ascd.msk.f32 $0xffff, v5, v6  }
0x53: {  	v21 =	vor.u32 s21, v0;
	s23 =	sadd.s32 $0xFFFFFFF0, s21;
	v5 =	vld [tilespmem:s20+$0xFFFFFFF0];
	v22 =	vsel vm1, v7, v10;
	v13 =	vsel vm1, v9, v13;
	v11, v10, _ =	vpop (xrf1)  }
0x54: {  	s24 =	sadd.s32 $0xFFFFFFE0, s21;
	v20 =	vor.u32 s23, v0;
	v6 =	vld [tilespmem:s20+$0xFFFFFFE0];
	(xrf1) =	vsort.dscd.msk.f32 $0xffff, v12, v21;
	v12, v16, _ =	vpop (xrf1)  }
.Ltmp3:
0x55: {  	v24 =	vor.u32 s24, v0;
	s23 =	sadd.s32 $0xFFFFFFD0, s21;
	v7 =	vld [tilespmem:s20+$0xFFFFFFD0];
	(xrf1) =	vsort.ascd.msk.f32 $0xffff, v22, v13;
	v9, v19, _ =	vpop (xrf1);
	(pc) =	sbr.rel @p1 .LBB2_3-.Ltmp3, $4  }
0x56: {  	v22 =	vor.u32 s23, v0;
	v13 =	vld [tilespmem:s20+$0xFFFFFFC0];
	(xrf1) =	vsort.dscd.msk.f32 $0xffff, v8, v24;
	vm2 =	vge.f32 v9, v12;
	v21, v23, _ =	vpop (xrf1)  }
0x57: {  	(xrf1) =	vsort.dscd.msk.f32 $0xffff, v15, v22;
	vm3 =	vge.f32 v21, v17;
	v19 =	vsel vm2, v19, v16;
	v16, v15, _ =	vpop (xrf1)  }
0x58: {  	(xrf1) =	vsort.dscd.msk.f32 $0xffff, v14, v20;
	vm1 =	vge.f32 v16, v11;
	v20 =	vsel vm2, v9, v12;
	v9, v8, _ =	vpop (xrf1)  }
0x59: {  	v17 =	vsel vm3, v21, v17;
	v18 =	vsel vm3, v23, v18;
	v12, v14, _ =	vpop (xrf1);
	(xrf1) =	vsort.ascd.msk.f32 $0xffff, v20, v19  }
0x5a: {  	s20 =	sadd.s32 $0xFFFFFF90, s21;
	v11 =	vsel vm1, v16, v11;
	v10 =	vsel vm1, v15, v10;
	v25, v24, _ =	vpop (xrf1);
	(xrf1) =	vsort.ascd.msk.f32 $0xffff, v17, v18  }
0x5b: {  	s26 =	sadd.s32 $0xFFFFFFC0, s21;
	v26 =	vor.u32 s20, v0;
	v27, v19, _ =	vpop (xrf1);
	(xrf1) =	vsort.ascd.msk.f32 $0xffff, v11, v10  }
0x5c: {  	s22 =	sadd.s32 $0xFFFFFFB0, s21;
	v28 =	vor.u32 s26, v0;
	(xrf1) =	vsort.dscd.msk.f32 $0xffff, v13, v26;
	v29, v30, _ =	vpop (xrf1)  }
0x5d: {  	s28 =	sadd.s32 $0xFFFFFFA0, s21;
	v31 =	vor.u32 s22, v0;
	(xrf1) =	vsort.dscd.msk.f32 $0xffff, v5, v28;
	vm1 =	vge.f32 v29, v12  }
0x5e: {  	v5 =	vor.u32 s28, v0;
	(xrf1) =	vsort.dscd.msk.f32 $0xffff, v6, v31;
	v6 =	vsel vm1, v30, v14  }
0x5f: {  	v32, v33, _ =	vpop (xrf1);
	(xrf1) =	vsort.dscd.msk.f32 $0xffff, v7, v5;
	v5 =	vsel vm1, v29, v12;
	_ =	sdelay $0x1  }
0x60: {  	vm2 =	vge.f32 v32, v9;
	v7, v34, _ =	vpop (xrf1)  }
0x61: {  	v9 =	vsel vm2, v32, v9;
	(xrf1) =	vsort.ascd.msk.f32 $0xffff, v5, v6;
	v5, v6, _ =	vpop (xrf1)  }
0x62: {  	v8 =	vsel vm2, v33, v8;
	vm2 =	vge.f32 v7, v25;
	vm1 =	vge.f32 v5, v27  }
0x63: {  	v7 =	vsel vm2, v7, v25;
	v6 =	vsel vm1, v6, v19  }
0x64: {  	v5 =	vsel vm1, v5, v27  }
0x65: {  	v35 =	vsel vm2, v34, v24;
	(xrf1) =	vsort.ascd.msk.f32 $0xffff, v9, v8;
	v8, v9, _ =	vpop (xrf1)  }
0x66: {  	(xrf1) =	vsort.ascd.msk.f32 $0xffff, v7, v35;
	v7, v10, _ =	vpop (xrf1)  }
0x67: {  	(xrf1) =	vsort.ascd.msk.f32 $0xffff, v5, v6;
	v5, v6, _ =	vpop (xrf1)  }
0x68: {  	v37, v36, _ =	vpop (xrf1)  }
0x69: {  	v39, v38, _ =	vpop (xrf1)  }
0x6a: {  	vm1 =	vge.f32 v7, v8;
	v40, v41, _ =	vpop (xrf1)  }
0x6b: {  	v7 =	vsel vm1, v7, v8;
	v45 =	vsel vm1, v10, v9;
	v42, v43, _ =	vpop (xrf1);
	vm1 =	vge.f32 v40, v39  }
0x6c: {  	v44, v20, _ =	vpop (xrf1);
	vm2 =	vge.f32 v42, v5;
	v14 =	vsel vm1, v41, v38  }
0x6d: {  	v13 =	vsel vm1, v40, v39;
	v9, v10, _ =	vpop (xrf1);
	v6 =	vsel vm2, v43, v6  }
0x6e: {  	(xrf1) =	vsort.ascd.msk.f32 $0xffff, v7, v45;
	v5 =	vsel vm2, v42, v5;
	v7, v8, _ =	vpop (xrf1)  }
0x6f: {  	vm1 =	vge.f32 v44, v37;
	v47, v46, _ =	vpop (xrf1)  }
0x70: {  	(xrf1) =	vsort.ascd.msk.f32 $0xffff, v13, v14;
	v12 =	vsel vm1, v20, v36;
	v13, v14, _ =	vpop (xrf1)  }
0x71: {  	v11 =	vsel vm1, v44, v37;
	(xrf1) =	vsort.ascd.msk.f32 $0xffff, v5, v6;
	v5, v6, _ =	vpop (xrf1)  }
0x72: {  	vm1 =	vge.f32 v5, v7  }
0x73: {  	v6 =	vsel vm1, v6, v8  }
0x74: {  	(xrf1) =	vsort.ascd.msk.f32 $0xffff, v11, v12;
	v11, v12, _ =	vpop (xrf1);
	v5 =	vsel vm1, v5, v7  }
0x75: {  	vm2 =	vge.f32 v11, v9;
	v7, v48, _ =	vpop (xrf1)  }
0x76: {  	v9 =	vsel vm2, v11, v9;
	v10 =	vsel vm2, v12, v10;
	vm2 =	vge.f32 v7, v47  }
0x77: {  	(xrf1) =	vsort.ascd.msk.f32 $0xffff, v5, v6;
	v7 =	vsel vm2, v7, v47;
	v5, v6, _ =	vpop (xrf1)  }
0x78: {  	v8 =	vsel vm2, v48, v46;
	(xrf1) =	vsort.ascd.msk.f32 $0xffff, v9, v10;
	vm1 =	vge.f32 v5, v13  }
0x79: {  	(xrf1) =	vsort.ascd.msk.f32 $0xffff, v7, v8;
	v5 =	vsel vm1, v5, v13;
	v6 =	vsel vm1, v6, v14  }
0x7a: {  	(xrf1) =	vsort.ascd.msk.f32 $0xffff, v5, v6;
	_ =	sdelay $0x6  }
0x7b: {  	v5, v6, _ =	vpop (xrf1)  }
0x7c: {  	v7, v8, _ =	vpop (xrf1)  }
0x7d: {  	v9, v10, _ =	vpop (xrf1)  }
0x7e: {  	v49, v50, _ =	vpop (xrf1)  }
0x7f: {  	v51, v52, _ =	vpop (xrf1)  }
0x80: {  	v53, v54, _ =	vpop (xrf1)  }
0x81: {  	v55, v56, _ =	vpop (xrf1)  }
0x82: {  	v57, v58, _ =	vpop (xrf1)  }
0x83: {  	(xrf1) =	vsort.dscd.msk.f32 $0xffff, v57, v58;
	_ =	sdelay $0xd  }
0x84: {  	v19, v20, _ =	vpop (xrf1)  }
0x85: {  	vm1 =	vge.f32 v53, v19  }
0x86: {  	v15 =	vsel vm1, v53, v19;
	v16 =	vsel vm1, v54, v20  }
0x87: {  	(xrf1) =	vsort.ascd.msk.f32 $0xffff, v15, v16  }
0x88: {  	(xrf1) =	vsort.dscd.msk.f32 $0xffff, v51, v52;
	_ =	sdelay $0xc  }
0x89: {  	v13, v14, _ =	vpop (xrf1)  }
0x8a: {  	v15, v16, _ =	vpop (xrf1)  }
0x8b: {  	vm1 =	vge.f32 v55, v15  }
0x8c: {  	v15 =	vsel vm1, v55, v15;
	v16 =	vsel vm1, v56, v16  }
0x8d: {  	(xrf1) =	vsort.ascd.msk.f32 $0xffff, v15, v16  }
0x8e: {  	(xrf1) =	vsort.dscd.msk.f32 $0xffff, v9, v10;
	_ =	sdelay $0xc  }
0x8f: {  	v9, v10, _ =	vpop (xrf1)  }
0x90: {  	v15, v16, _ =	vpop (xrf1)  }
0x91: {  	vm1 =	vge.f32 v49, v15  }
0x92: {  	v11 =	vsel vm1, v49, v15;
	v12 =	vsel vm1, v50, v16  }
0x93: {  	(xrf1) =	vsort.ascd.msk.f32 $0xffff, v11, v12  }
0x94: {  	(xrf1) =	vsort.dscd.msk.f32 $0xffff, v5, v6;
	_ =	sdelay $0xc  }
0x95: {  	v5, v6, _ =	vpop (xrf1)  }
0x96: {  	v11, v12, _ =	vpop (xrf1)  }
0x97: {  	vm1 =	vge.f32 v7, v11  }
0x98: {  	v7 =	vsel vm1, v7, v11;
	v8 =	vsel vm1, v8, v12  }
0x99: {  	(xrf1) =	vsort.ascd.msk.f32 $0xffff, v7, v8  }
0x9a: {  	(xrf1) =	vsort.dscd.msk.f32 $0xffff, v9, v10;
	_ =	sdelay $0xc  }
0x9b: {  	v7, v8, _ =	vpop (xrf1)  }
0x9c: {  	v9, v10, _ =	vpop (xrf1)  }
0x9d: {  	vm1 =	vge.f32 v13, v9  }
0x9e: {  	v9 =	vsel vm1, v13, v9;
	v10 =	vsel vm1, v14, v10  }
0x9f: {  	(xrf1) =	vsort.ascd.msk.f32 $0xffff, v9, v10  }
0xa0: {  	(xrf1) =	vsort.dscd.msk.f32 $0xffff, v7, v8;
	_ =	sdelay $0xc  }
0xa1: {  	v7, v8, _ =	vpop (xrf1)  }
0xa2: {  	v9, v10, _ =	vpop (xrf1)  }
0xa3: {  	vm1 =	vge.f32 v5, v9  }
0xa4: {  	v5 =	vsel vm1, v5, v9;
	v6 =	vsel vm1, v6, v10  }
0xa5: {  	(xrf1) =	vsort.ascd.msk.f32 $0xffff, v5, v6;
	_ =	sdelay $0xd  }
0xa6: {  	v5, v6, _ =	vpop (xrf1)  }
0xa7: {  	(xrf1) =	vsort.dscd.msk.f32 $0xffff, v5, v6;
	_ =	sdelay $0xd  }
0xa8: {  	v5, v6, _ =	vpop (xrf1)  }
0xa9: {  	vm1 =	vge.f32 v7, v5  }
0xaa: {  	v5 =	vsel vm1, v7, v5;
	v6 =	vsel vm1, v8, v6  }
0xab: {  	(xrf1) =	vsort.ascd.msk.f32 $0xffff, v5, v6;
	_ =	sdelay $0xd  }
0xac: {  	_, v5, _ =	vpop (xrf1)  }
0xad: {  	v6 =	vadd.s32 v1, v5  }
0xae: {  	v6 =	vshrl.u32 v6, $0x3  }
0xaf: {  	v6 =	vmul.u32 $0x30, v6  }
0xb0: {  	v5 =	vand.u32 $0x7, v5  }
0xb1: {  	v5 =	vor.u32 v5, v6  }
0xb2: {  	v6 =	vperm.xlane v5, v2;
	_ =	sdelay $0x1  }
0xb3: {  	v6 =	vadd.s32 v3, v6;
	_ =	sdelay $0x3  }
0xb4: {  	s29 =	simm.s32 $0x0;
	v5 =	vperm.xlane v5, v4  }
0xb5: {  	[tilespmem:s10], [sflag:$0x1] =	stream.indirect_vreg.gather [hbm4b:s2+s29], $0x80, v6, vm0, $0xb8;
	[tilespmem:$0x5300] =	vst v63  }
0xb6: {  	v5 =	vadd.s32 v3, v5  }
0xb7: {  	[tilespmem:s11], [sflag:$0x1] =	stream.indirect_vreg.gather [hbm4b:s5+s29], $0x80, v6, vm0, $0xb8;
	[tilespmem:$0x5300] =	vst v63  }
0xb8: {  	_ = 	snop  }
0xb9: {  	[tilespmem:s12], [sflag:$0x1] =	stream.indirect_vreg.gather [hbm4b:s6+s29], $0x80, v6, vm0, $0xb8;
	[tilespmem:$0x5300] =	vst v63  }
0xba: {  	_ = 	snop  }
0xbb: {  	[tilespmem:s13], [sflag:$0x1] =	stream.indirect_vreg.gather [hbm4b:s2+s29], $0x80, v5, vm0, $0xb8;
	[tilespmem:$0x5300] =	vst v63  }
0xbc: {  	_ = 	snop  }
0xbd: {  	[tilespmem:s14], [sflag:$0x1] =	stream.indirect_vreg.gather [hbm4b:s5+s29], $0x80, v5, vm0, $0xb8;
	[tilespmem:$0x5300] =	vst v63  }
0xbe: {  	_ = 	snop  }
0xbf: {  	[tilespmem:s15], [sflag:$0x1] =	stream.indirect_vreg.gather [hbm4b:s6+s29], $0x80, v5, vm0, $0xb8;
	[tilespmem:$0x5300] =	vst v63  }
0xc0: {  	_ =	swait.ge [sflag:s9], $0x3000  }
0xc1: {  	s30 =	sand.u32 $0x70, s29;
	s20 =	sand.u32 $0x1C00, s29;
	[sflag:s9] =	ssyncset.done $0x0  }
0xc2: {  	s20 =	sor.u32 s30, s20;
	[sflag:s9] =	ssyncadd.s32 $0xFFFFD000  }
0xc3: {  	v5 =	vld [tilespmem:s20+$0x2000];
	_ =	sdelay $0x1  }
0xc4: {  	v6 =	vld [tilespmem:s20+$0x2080];
	_ =	sdelay $0x1  }
0xc5: {  	v7 =	vld [tilespmem:s20+$0x2100]  }
0xc6: {  	v5 =	vadd.f32 $0.0e+00, v5  }
0xc7: {  	v59 =	vld [tilespmem:s20+$0x2180]  }
0xc8: {  	v5 =	vadd.f32 v6, v5  }
0xc9: {  	v6 =	vld [tilespmem:s20+$0x2200]  }
0xca: {  	v5 =	vadd.f32 v7, v5  }
0xcb: {  	v7 =	vld [tilespmem:s20+$0x2280]  }
0xcc: {  	v5 =	vadd.f32 v59, v5  }
0xcd: {  	v60 =	vld [tilespmem:s20+$0x2300]  }
0xce: {  	v5 =	vadd.f32 v6, v5  }
0xcf: {  	v6 =	vld [tilespmem:s20+$0x2380]  }
0xd0: {  	v5 =	vadd.f32 v7, v5  }
0xd1: {  	v7 =	vld [tilespmem:s20+$0x3800]  }
0xd2: {  	v5 =	vadd.f32 v60, v5  }
0xd3: {  	v61 =	vld [tilespmem:s20+$0x3880]  }
0xd4: {  	v5 =	vadd.f32 v6, v5  }
0xd5: {  	v6 =	vld [tilespmem:s20+$0x3900]  }
0xd6: {  	v5 =	vadd.f32 v7, v5  }
0xd7: {  	v7 =	vld [tilespmem:s20+$0x3980]  }
0xd8: {  	v5 =	vadd.f32 v61, v5  }
0xd9: {  	v62 =	vld [tilespmem:s20+$0x3A00]  }
0xda: {  	v5 =	vadd.f32 v6, v5  }
0xdb: {  	v6 =	vld [tilespmem:s20+$0x3A80]  }
0xdc: {  	v5 =	vadd.f32 v7, v5  }
0xdd: {  	v7 =	vld [tilespmem:s20+$0x3B00]  }
0xde: {  	v5 =	vadd.f32 v62, v5  }
0xdf: {  	v63 =	vld [tilespmem:s20+$0x3B80]  }
0xe0: {  	v5 =	vadd.f32 v6, v5;
	_ =	sdelay $0x1  }
0xe1: {  	v5 =	vadd.f32 v7, v5  }
0xe2: {  	s31 =	simm.s32 $0x10  }
0xe3: {  	s21 =	simm.s32 $0x80;
	s23 =	sand.u32 $0x70, s31;
	v5 =	vadd.f32 v63, v5  }
0xe4: {  	s24 =	sand.u32 $0x1C00, s21;
	s22 =	simm.s32 $0x20;
	s20 =	simm.s32 $0x5000  }
.LBB2_5:
0xe5: {  	p1 =	sne.s32 s22, $0x2F0;
	s23 =	sor.u32 s23, s24;
	[tilespmem:s20+$0x0] =	vst v5  }
0xe6: {  	v5 =	vld [tilespmem:s23+$0x2000];
	_ =	sdelay $0x1  }
0xe7: {  	v6 =	vld [tilespmem:s23+$0x2080];
	_ =	sdelay $0x1  }
0xe8: {  	v7 =	vld [tilespmem:s23+$0x2100]  }
0xe9: {  	v5 =	vadd.f32 $0.0e+00, v5  }
0xea: {  	v8 =	vld [tilespmem:s23+$0x2180]  }
0xeb: {  	v5 =	vadd.f32 v6, v5  }
0xec: {  	v6 =	vld [tilespmem:s23+$0x2200]  }
0xed: {  	v5 =	vadd.f32 v7, v5  }
0xee: {  	v7 =	vld [tilespmem:s23+$0x2280]  }
0xef: {  	v5 =	vadd.f32 v8, v5  }
0xf0: {  	v8 =	vld [tilespmem:s23+$0x2300]  }
0xf1: {  	v5 =	vadd.f32 v6, v5  }
0xf2: {  	v6 =	vld [tilespmem:s23+$0x2380]  }
0xf3: {  	v5 =	vadd.f32 v7, v5  }
0xf4: {  	v7 =	vld [tilespmem:s23+$0x3800]  }
0xf5: {  	v5 =	vadd.f32 v8, v5  }
0xf6: {  	v8 =	vld [tilespmem:s23+$0x3880]  }
0xf7: {  	v5 =	vadd.f32 v6, v5  }
0xf8: {  	v6 =	vld [tilespmem:s23+$0x3900]  }
0xf9: {  	v5 =	vadd.f32 v7, v5  }
0xfa: {  	v7 =	vld [tilespmem:s23+$0x3980]  }
0xfb: {  	v5 =	vadd.f32 v8, v5  }
0xfc: {  	v8 =	vld [tilespmem:s23+$0x3A00]  }
0xfd: {  	v5 =	vadd.f32 v6, v5  }
0xfe: {  	v6 =	vld [tilespmem:s23+$0x3A80]  }
0xff: {  	v5 =	vadd.f32 v7, v5  }
0x100: {  	v7 =	vld [tilespmem:s23+$0x3B00]  }
0x101: {  	v5 =	vadd.f32 v8, v5  }
0x102: {  	v8 =	vld [tilespmem:s23+$0x3B80]  }
0x103: {  	v5 =	vadd.f32 v6, v5  }
.Ltmp4:
0x104: {  	(pc) =	sbr.rel @p1 .LBB2_5-.Ltmp4, $3  }
0x105: {  	v5 =	vadd.f32 v7, v5;
	_ =	sdelay $0x1  }
0x106: {  	s21 =	sadd.s32 $0x80, s21;
	s20 =	sadd.s32 $0x10, s20;
	v5 =	vadd.f32 v8, v5  }
0x107: {  	s24 =	sand.u32 $0x1C00, s21;
	s23 =	sand.u32 $0x70, s22;
	s22 =	sadd.s32 $0x10, s22  }
0x108: {  	s21 =	sor.u32 s23, s24;
	[tilespmem:s20+$0x0] =	vst v5  }
0x109: {  	v5 =	vld [tilespmem:s21+$0x2000];
	_ =	sdelay $0x1  }
0x10a: {  	v6 =	vld [tilespmem:s21+$0x2080];
	_ =	sdelay $0x1  }
0x10b: {  	v7 =	vld [tilespmem:s21+$0x2100]  }
0x10c: {  	v5 =	vadd.f32 $0.0e+00, v5  }
0x10d: {  	v8 =	vld [tilespmem:s21+$0x2180]  }
0x10e: {  	v5 =	vadd.f32 v6, v5  }
0x10f: {  	v6 =	vld [tilespmem:s21+$0x2200]  }
0x110: {  	v5 =	vadd.f32 v7, v5  }
0x111: {  	v7 =	vld [tilespmem:s21+$0x2280]  }
0x112: {  	v5 =	vadd.f32 v8, v5  }
0x113: {  	v60 =	vld [tilespmem:s21+$0x2300]  }
0x114: {  	v5 =	vadd.f32 v6, v5  }
0x115: {  	v6 =	vld [tilespmem:s21+$0x2380]  }
0x116: {  	v5 =	vadd.f32 v7, v5  }
0x117: {  	v7 =	vld [tilespmem:s21+$0x3800]  }
0x118: {  	v5 =	vadd.f32 v60, v5  }
0x119: {  	v61 =	vld [tilespmem:s21+$0x3880]  }
0x11a: {  	v5 =	vadd.f32 v6, v5  }
0x11b: {  	v6 =	vld [tilespmem:s21+$0x3900]  }
0x11c: {  	v5 =	vadd.f32 v7, v5  }
0x11d: {  	v7 =	vld [tilespmem:s21+$0x3980]  }
0x11e: {  	v5 =	vadd.f32 v61, v5  }
0x11f: {  	v62 =	vld [tilespmem:s21+$0x3A00]  }
0x120: {  	v5 =	vadd.f32 v6, v5  }
0x121: {  	v6 =	vld [tilespmem:s21+$0x3A80]  }
0x122: {  	v5 =	vadd.f32 v7, v5  }
0x123: {  	v7 =	vld [tilespmem:s21+$0x3B00]  }
0x124: {  	v5 =	vadd.f32 v62, v5  }
0x125: {  	v63 =	vld [tilespmem:s21+$0x3B80]  }
0x126: {  	v5 =	vadd.f32 v6, v5;
	_ =	sdelay $0x1  }
0x127: {  	v5 =	vadd.f32 v7, v5;
	_ =	sdelay $0x1  }
0x128: {  	v5 =	vadd.f32 v63, v5  }
0x129: {  	s31 =	sadd.s32 $0x10, s20  }
.Ltmp5:
0x12a: {  	[tilespmem:s31+$0x0] =	vst v5;
	(pc) =	sbr.rel .LBB2_7-.Ltmp5, $4  }
0x12b: {  	[hbm4b:s7+s16] =	stream.strided.scatter [tilespmem:s18], [sflag:$0x1], $0x300, s17, s16, $0x38;
	[tilespmem:$0x5300] =	vst v63  }
0x12c: {  	_ =	swait.ge [sflag:s9], $0x300  }
0x12d: {  	[sflag:s9] =	ssyncset.done $0x0  }
0x12e: {  	[sflag:s9] =	ssyncadd.s32 $0xFFFFFD00  }
.LBB2_8:
0x12f: {  	_ =	sfence.sel $0x180000  }
0x130: {  	[bflag:$0x0] =	sbarrier.arrive $0xFFFF  }
0x131: {  	p0 =	sne.s32 s1, $0x0;
	_ =	strace $0x90000047  }
0x132: {  	s0 =	sadd.s32 @!p0 $0x100000, s0;
	[bflag:$0x2] =	sbarrier.arrive $0xFFFF  }
0x133: {  	[sflag:s0] =	ssyncadd.tile.s32 @!p0 $0x1;
	_ =	shalt  }
.Lfunc_end2:
_tile_overlayer_lowered:
.L_overlay_start_2:
0x134: {  	(tag) =	ssettag $0x2  }
0x135: {  	s0 =	rddreg [dreg:$0x0];
	s2 =	stileid.u32  }
0x136: {  	s1 =	rddreg [dreg:$0x1];
	p0 =	sne.s32 s2, $0x0  }
0x137: {  	s3 =	rddreg [dreg:$0x2];
	[bflag:$0x3] =	sbarrier.arrive $0xFFFF;
	s2 =	simm.s32 @!p0 $0x1C01  }
0x138: {  	[timem:s3], [sflag:s2] =	dma.local @!p0 [hbm:s0], s1  }
0x139: {  	s0 =	simm.s32 @!p0 $0x1  }
0x13a: {  	_ =	swait.ge @!p0 [sflag:s0], s1  }
0x13b: {  	s1 =	ssub.s32 @!p0 $0x0, s1;
	[sflag:s0] =	ssyncset.done @!p0 $0x0  }
0x13c: {  	[sflag:s0] =	ssyncadd.s32 @!p0 s1  }
0x13d: {  	[bflag:$0x3] =	sbarrier.arrive $0xFFFF  }
0x13e: {  	_ =	shalt  }

</sc_bundles>
